<compile_context>
chip_gen: v7x
topology: tpu7x:2x2x1
jax: 0.10.2.dev20260603
libtpu: 0.0.44.dev20260713+nightly
codegen_flags: <defaults>
</compile_context>

<pallas_src>
import functools

import jax
import jax.numpy as jnp
from jax import lax
from jax.experimental import pallas as pl
from jax.experimental.pallas import tpu as pltpu
from jax.experimental.pallas import tpu_sc as plsc

N_NODES = 10000
N_EDGES = 320000
D_IN = 128
D_HID = 64
D_OUT = 16
N_CLS = 2

D1 = D_HID + 16
NC = 2
NS = 16
NW = NC * NS
CHUNK = 128
EPW = 10240
NCHUNKS = EPW // CHUNK
E_PAD = NW * EPW
N_PAD = 10016
STRIPE = N_PAD // NS


def _sc_segsum(d_feat):
    mesh = plsc.VectorSubcoreMesh(core_axis_name="c", subcore_axis_name="s")

    @functools.partial(
        pl.kernel,
        out_type=jax.ShapeDtypeStruct((NC, N_PAD, d_feat), jnp.float32),
        mesh=mesh,
        scratch_types=[
            pltpu.VMEM((NCHUNKS, CHUNK), jnp.int32),
            pltpu.VMEM((NCHUNKS, CHUNK), jnp.int32),
            pltpu.VMEM((CHUNK, d_feat), jnp.float32),
            pltpu.VMEM((STRIPE, d_feat), jnp.float32),
            pltpu.VMEM_SHARED((N_PAD, d_feat), jnp.float32),
            pltpu.SemaphoreType.DMA,
        ],
        compiler_params=pltpu.CompilerParams(use_tc_tiling_on_sc=False),
    )
    def seg_kernel(tbl_h, src_h, dst_h, agg_h,
                   src_v, dst_v, rows_v, zero_v, acc_sh, sem):
        c = lax.axis_index("c")
        s = lax.axis_index("s")

        pltpu.sync_copy(src_h.at[c, s], src_v)
        pltpu.sync_copy(dst_h.at[c, s], dst_v)

        zvec = jnp.zeros((16,), jnp.float32)

        def zrow(i, carry):
            def zcol(j, cc):
                zero_v[i, pl.ds(j * 16, 16)] = zvec
                return cc
            return lax.fori_loop(0, d_feat // 16, zcol, carry)
        lax.fori_loop(0, STRIPE, zrow, 0)
        pltpu.sync_copy(zero_v, acc_sh.at[pl.ds(s * STRIPE, STRIPE)])

        plsc.subcore_barrier()

        def chunk_body(j, carry):
            pltpu.async_copy(tbl_h.at[src_v.at[j]], rows_v, sem).wait()
            pltpu.sync_copy(rows_v, acc_sh.at[dst_v.at[j]], add=True)
            return carry
        lax.fori_loop(0, NCHUNKS, chunk_body, 0)

        plsc.subcore_barrier()

        pltpu.sync_copy(acc_sh.at[pl.ds(s * STRIPE, STRIPE)], zero_v)
        pltpu.sync_copy(zero_v, agg_h.at[c, pl.ds(s * STRIPE, STRIPE)])

    return seg_kernel


_seg1 = _sc_segsum(D1)
_seg2 = _sc_segsum(D_OUT)


def _tc1_body(x_ref, w1l_ref, w1r_ref, p1_ref, q1_ref):
    x = x_ref[...]
    p1_ref[:, :D_HID] = jnp.dot(x, w1l_ref[...],
                                preferred_element_type=jnp.float32)
    p1_ref[:, D_HID:] = jnp.ones((N_NODES, 16), jnp.float32)
    q1_ref[...] = jnp.dot(x, w1r_ref[...], preferred_element_type=jnp.float32)


def _tc2_body(agg_ref, q1_ref, b1l_ref, gamma_ref, beta_ref,
              w2l_ref, w2r_ref, p2_ref, q2_ref, rdeg_ref):
    agg = agg_ref[0, :N_NODES, :D_HID] + agg_ref[1, :N_NODES, :D_HID]
    cnt = agg_ref[0, :N_NODES, D_HID] + agg_ref[1, :N_NODES, D_HID]
    rdeg = (1.0 / jnp.maximum(cnt, 1.0))[:, None]
    h = agg * rdeg + b1l_ref[...][None, :] + q1_ref[...]
    mu = jnp.mean(h, axis=0)
    d = h - mu[None, :]
    var = jnp.mean(d * d, axis=0)
    hn = d * (gamma_ref[...] / jnp.sqrt(var + 1e-5))[None, :] + beta_ref[...][None, :]
    hn = jnp.maximum(hn, 0.0)
    p2_ref[...] = jnp.dot(hn, w2l_ref[...], preferred_element_type=jnp.float32)
    q2_ref[...] = jnp.dot(hn, w2r_ref[...], preferred_element_type=jnp.float32)
    rdeg_ref[...] = rdeg


def _tc3_body(agg2_ref, rdeg_ref, q2_ref, b2l_ref, wc_ref, bc_ref,
              logits_ref, emb_ref):
    agg2 = agg2_ref[0, :N_NODES, :] + agg2_ref[1, :N_NODES, :]
    emb = agg2 * rdeg_ref[...] + b2l_ref[...][None, :] + q2_ref[...]
    logits_ref[...] = (
        jnp.dot(emb, wc_ref[...], preferred_element_type=jnp.float32)
        + bc_ref[...][None, :])
    emb_ref[...] = emb


@jax.jit
def kernel(x, edge_index, W1l, b1l, W1r, gamma, beta, W2l, b2l, W2r, Wc, bc):
    src = edge_index[0]
    dst = edge_index[1]
    pad = E_PAD - N_EDGES
    src_p = jnp.concatenate(
        [src, jnp.zeros((pad,), jnp.int32)]).reshape(NC, NS, NCHUNKS, CHUNK)
    dst_p = jnp.concatenate(
        [dst, jnp.full((pad,), N_NODES, jnp.int32)]).reshape(NC, NS, NCHUNKS, CHUNK)

    p1, q1 = pl.pallas_call(
        _tc1_body,
        out_shape=[
            jax.ShapeDtypeStruct((N_NODES, D1), jnp.float32),
            jax.ShapeDtypeStruct((N_NODES, D_HID), jnp.float32),
        ],
    )(x, W1l, W1r)

    agg1 = _seg1(p1, src_p, dst_p)

    p2, q2, rdeg = pl.pallas_call(
        _tc2_body,
        out_shape=[
            jax.ShapeDtypeStruct((N_NODES, D_OUT), jnp.float32),
            jax.ShapeDtypeStruct((N_NODES, D_OUT), jnp.float32),
            jax.ShapeDtypeStruct((N_NODES, 1), jnp.float32),
        ],
    )(agg1, q1, b1l, gamma, beta, W2l, W2r)

    agg2 = _seg2(p2, src_p, dst_p)

    logits, emb = pl.pallas_call(
        _tc3_body,
        out_shape=[
            jax.ShapeDtypeStruct((N_NODES, N_CLS), jnp.float32),
            jax.ShapeDtypeStruct((N_NODES, D_OUT), jnp.float32),
        ],
    )(agg2, rdeg, q2, b2l, Wc, bc)

    return (logits, emb)

# --- scband reference (transcript-rebuilt; emitter-appended) ---
"""Pipeline reference for scband-baseline-classifier-3092376453140 (READ-ONLY COPY).

The authoritative reference and input builder live on the scoring server;
editing this copy changes nothing except your own understanding.
"""

import jax, jax.numpy as jnp
import numpy as np

N_NODES = 10000
N_EDGES = 320000
D_IN = 128
D_HID = 64
D_OUT = 16
N_CLS = 2


def setup_inputs(seed: int = 0) -> dict:
    key = jax.random.key(seed)
    ks = jax.random.split(key, 12)
    x = jax.random.normal(ks[0], (N_NODES, D_IN), dtype=jnp.float32)
    edge_index = jax.random.randint(ks[1], (2, N_EDGES), 0, N_NODES, dtype=jnp.int64 if jax.config.jax_enable_x64 else jnp.int32).astype(jnp.int32)
    s1 = 1.0 / np.sqrt(D_IN)
    W1l = jax.random.uniform(ks[2], (D_IN, D_HID), jnp.float32, -s1, s1)
    b1l = jax.random.uniform(ks[3], (D_HID,), jnp.float32, -s1, s1)
    W1r = jax.random.uniform(ks[4], (D_IN, D_HID), jnp.float32, -s1, s1)
    gamma = jnp.ones((D_HID,), jnp.float32)
    beta = jnp.zeros((D_HID,), jnp.float32)
    s2 = 1.0 / np.sqrt(D_HID)
    W2l = jax.random.uniform(ks[5], (D_HID, D_OUT), jnp.float32, -s2, s2)
    b2l = jax.random.uniform(ks[6], (D_OUT,), jnp.float32, -s2, s2)
    W2r = jax.random.uniform(ks[7], (D_HID, D_OUT), jnp.float32, -s2, s2)
    s3 = 1.0 / np.sqrt(D_OUT)
    Wc = jax.random.uniform(ks[8], (D_OUT, N_CLS), jnp.float32, -s3, s3)
    bc = jax.random.uniform(ks[9], (N_CLS,), jnp.float32, -s3, s3)
    return {"x": x, "edge_index": edge_index, "W1l": W1l, "b1l": b1l, "W1r": W1r, "gamma": gamma, "beta": beta, "W2l": W2l, "b2l": b2l, "W2r": W2r, "Wc": Wc, "bc": bc}


def _sage_conv(x, edge_index, Wl, bl, Wr):
    # PyG SAGEConv (mean aggr): out = lin_l(mean_{j in N(i)} x_j) + lin_r(x_i)
    src = edge_index[0]
    dst = edge_index[1]
    msgs = jnp.take(x, src, axis=0)
    agg = jax.ops.segment_sum(msgs, dst, num_segments=x.shape[0])
    cnt = jax.ops.segment_sum(jnp.ones((edge_index.shape[1],), x.dtype), dst, num_segments=x.shape[0])
    mean = agg / jnp.maximum(cnt, 1.0)[:, None]
    return mean @ Wl + bl + x @ Wr


def reference(x, edge_index, W1l, b1l, W1r, gamma, beta, W2l, b2l, W2r, Wc, bc):
    h = _sage_conv(x, edge_index, W1l, b1l, W1r)
    # BatchNorm1d in training mode: batch statistics, biased variance
    mu = jnp.mean(h, axis=0)
    var = jnp.var(h, axis=0)
    h = (h - mu) / jnp.sqrt(var + 1e-5) * gamma + beta
    h = jax.nn.relu(h)
    emb = _sage_conv(h, edge_index, W2l, b2l, W2r)
    logits = emb @ Wc + bc
    return (logits, emb)

if __name__ == "__main__":
    import jax
    _d = setup_inputs()
    print(jax.jit(kernel)(*tuple(_d.values())))

</pallas_src>

<mosaic_0001>
#map = affine_map<(d0, d1) -> (0, 0)>
#map1 = affine_map<(d0, d1) -> (0, 0, 0, 0)>
#map2 = affine_map<(d0, d1) -> (0, 0, 0)>
module attributes {stable_mosaic.version = 14 : i64} {
  func.func @seg_kernel(%arg0: i32, %arg1: i32, %arg2: memref<10000x80xf32, #tpu.memory_space<hbm>>, %arg3: memref<2x16x80x128xi32, #tpu.memory_space<hbm>>, %arg4: memref<2x16x80x128xi32, #tpu.memory_space<hbm>>, %arg5: memref<2x10016x80xf32, #tpu.memory_space<hbm>>, %arg6: memref<80x128xi32, #tpu.memory_space<vmem>>, %arg7: memref<80x128xi32, #tpu.memory_space<vmem>>, %arg8: memref<128x80xf32, #tpu.memory_space<vmem>>, %arg9: memref<626x80xf32, #tpu.memory_space<vmem>>, %arg10: memref<10016x80xf32, #tpu.memory_space<vmem_shared>>, %arg11: memref<!tpu.dma_semaphore, #tpu.memory_space<semaphore_mem>>) attributes {dimension_semantics = [#tpu.dimension_semantics<core_parallel>, #tpu.dimension_semantics<subcore_parallel>], iteration_bounds = array<i64: 2, 16>, scalar_prefetch = 0 : i64, scratch_operands = 6 : i64, tpu.core_type = #tpu.core_type<sc_vector_subcore>, window_params = [{transform_indices = #map}, {transform_indices = #map1}, {transform_indices = #map1}, {transform_indices = #map2}]} {
    "tpu.region"() ({
      %run_scoped3A = tpu.sem_alloc : memref<!tpu.dma_semaphore, #tpu.memory_space<semaphore_mem>>
      %dma_start3A = arith.constant 0 : i32
      %dma_start3A_18 = arith.constant 0 : i32
      %dma_start3A_19 = tpu.memref_slice %arg3[%arg0, %arg1, %dma_start3A, %dma_start3A_18] : memref<2x16x80x128xi32, #tpu.memory_space<hbm>> -> memref<1x1x80x128xi32, #tpu.memory_space<hbm>>
      %dma_start3A_20 = tpu.memref_squeeze %dma_start3A_19 : memref<1x1x80x128xi32, #tpu.memory_space<hbm>> -> memref<80x128xi32, #tpu.memory_space<hbm>>
      %dma_start3A_21 = arith.constant 0 : i32
      %dma_start3A_22 = arith.constant 0 : i32
      %dma_start3A_23 = tpu.memref_slice %arg3[%arg0, %arg1, %dma_start3A_21, %dma_start3A_22] : memref<2x16x80x128xi32, #tpu.memory_space<hbm>> -> memref<1x1x80x128xi32, #tpu.memory_space<hbm>>
      %dma_start3A_24 = tpu.memref_squeeze %dma_start3A_23 : memref<1x1x80x128xi32, #tpu.memory_space<hbm>> -> memref<80x128xi32, #tpu.memory_space<hbm>>
      tpu.enqueue_dma source(%dma_start3A_24 : memref<80x128xi32, #tpu.memory_space<hbm>>) target(%arg6 : memref<80x128xi32, #tpu.memory_space<vmem>>) target_semaphore(%run_scoped3A : memref<!tpu.dma_semaphore, #tpu.memory_space<semaphore_mem>>)
      %dma_wait3A = arith.constant 0 : i32
      %dma_wait3A_25 = arith.constant 0 : i32
      %dma_wait3A_26 = tpu.memref_slice %arg3[%arg0, %arg1, %dma_wait3A, %dma_wait3A_25] : memref<2x16x80x128xi32, #tpu.memory_space<hbm>> -> memref<1x1x80x128xi32, #tpu.memory_space<hbm>>
      %dma_wait3A_27 = tpu.memref_squeeze %dma_wait3A_26 : memref<1x1x80x128xi32, #tpu.memory_space<hbm>> -> memref<80x128xi32, #tpu.memory_space<hbm>>
      %dma_wait3A_28 = arith.constant 0 : i32
      %dma_wait3A_29 = arith.constant 0 : i32
      %dma_wait3A_30 = tpu.memref_slice %arg3[%arg0, %arg1, %dma_wait3A_28, %dma_wait3A_29] : memref<2x16x80x128xi32, #tpu.memory_space<hbm>> -> memref<1x1x80x128xi32, #tpu.memory_space<hbm>>
      %dma_wait3A_31 = tpu.memref_squeeze %dma_wait3A_30 : memref<1x1x80x128xi32, #tpu.memory_space<hbm>> -> memref<80x128xi32, #tpu.memory_space<hbm>>
      tpu.wait_dma2 semaphore(%run_scoped3A : memref<!tpu.dma_semaphore, #tpu.memory_space<semaphore_mem>>) src(%dma_wait3A_31 : memref<80x128xi32, #tpu.memory_space<hbm>>) dst(%arg6 : memref<80x128xi32, #tpu.memory_space<vmem>>)
      tpu.yield
    }) : () -> ()
    "tpu.region"() ({
      %run_scoped3A = tpu.sem_alloc : memref<!tpu.dma_semaphore, #tpu.memory_space<semaphore_mem>>
      %dma_start3A = arith.constant 0 : i32
      %dma_start3A_18 = arith.constant 0 : i32
      %dma_start3A_19 = tpu.memref_slice %arg4[%arg0, %arg1, %dma_start3A, %dma_start3A_18] : memref<2x16x80x128xi32, #tpu.memory_space<hbm>> -> memref<1x1x80x128xi32, #tpu.memory_space<hbm>>
      %dma_start3A_20 = tpu.memref_squeeze %dma_start3A_19 : memref<1x1x80x128xi32, #tpu.memory_space<hbm>> -> memref<80x128xi32, #tpu.memory_space<hbm>>
      %dma_start3A_21 = arith.constant 0 : i32
      %dma_start3A_22 = arith.constant 0 : i32
      %dma_start3A_23 = tpu.memref_slice %arg4[%arg0, %arg1, %dma_start3A_21, %dma_start3A_22] : memref<2x16x80x128xi32, #tpu.memory_space<hbm>> -> memref<1x1x80x128xi32, #tpu.memory_space<hbm>>
      %dma_start3A_24 = tpu.memref_squeeze %dma_start3A_23 : memref<1x1x80x128xi32, #tpu.memory_space<hbm>> -> memref<80x128xi32, #tpu.memory_space<hbm>>
      tpu.enqueue_dma source(%dma_start3A_24 : memref<80x128xi32, #tpu.memory_space<hbm>>) target(%arg7 : memref<80x128xi32, #tpu.memory_space<vmem>>) target_semaphore(%run_scoped3A : memref<!tpu.dma_semaphore, #tpu.memory_space<semaphore_mem>>)
      %dma_wait3A = arith.constant 0 : i32
      %dma_wait3A_25 = arith.constant 0 : i32
      %dma_wait3A_26 = tpu.memref_slice %arg4[%arg0, %arg1, %dma_wait3A, %dma_wait3A_25] : memref<2x16x80x128xi32, #tpu.memory_space<hbm>> -> memref<1x1x80x128xi32, #tpu.memory_space<hbm>>
      %dma_wait3A_27 = tpu.memref_squeeze %dma_wait3A_26 : memref<1x1x80x128xi32, #tpu.memory_space<hbm>> -> memref<80x128xi32, #tpu.memory_space<hbm>>
      %dma_wait3A_28 = arith.constant 0 : i32
      %dma_wait3A_29 = arith.constant 0 : i32
      %dma_wait3A_30 = tpu.memref_slice %arg4[%arg0, %arg1, %dma_wait3A_28, %dma_wait3A_29] : memref<2x16x80x128xi32, #tpu.memory_space<hbm>> -> memref<1x1x80x128xi32, #tpu.memory_space<hbm>>
      %dma_wait3A_31 = tpu.memref_squeeze %dma_wait3A_30 : memref<1x1x80x128xi32, #tpu.memory_space<hbm>> -> memref<80x128xi32, #tpu.memory_space<hbm>>
      tpu.wait_dma2 semaphore(%run_scoped3A : memref<!tpu.dma_semaphore, #tpu.memory_space<semaphore_mem>>) src(%dma_wait3A_31 : memref<80x128xi32, #tpu.memory_space<hbm>>) dst(%arg7 : memref<80x128xi32, #tpu.memory_space<vmem>>)
      tpu.yield
    }) : () -> ()
    %broadcast_in_dim3A = arith.constant 0.000000e+00 : f32
    %broadcast_in_dim3A_0 = vector.broadcast %broadcast_in_dim3A : f32 to vector<16xf32>
    %scan3A = arith.constant 0 : i32
    %scan3A_1 = arith.constant 0 : i32
    %scan3A_2 = arith.constant 626 : i32
    %scan3A_3 = arith.addi %scan3A_1, %scan3A_2 : i32
    %scan3A_4 = arith.constant 1 : i32
    scf.for %scan3A_18 = %scan3A_1 to %scan3A_3 step %scan3A_4  : i32 {
      %scan3A_19 = arith.constant 0 : i32
      %scan3A_20 = arith.constant 5 : i32
      %scan3A_21 = arith.addi %scan3A_19, %scan3A_20 : i32
      %scan3A_22 = arith.constant 1 : i32
      scf.for %scan3A_24 = %scan3A_19 to %scan3A_21 step %scan3A_22  : i32 {
        %mul3A_25 = arith.constant 16 : i32
        %mul3A_26 = arith.muli %scan3A_24, %mul3A_25 : i32
        %swap3A = arith.index_cast %scan3A_18 : i32 to index
        %swap3A_27 = arith.index_cast %mul3A_26 : i32 to index
        %swap3A_28 = tpu.vector_load %arg9[%swap3A, %swap3A_27] {strides = array<i32>} : memref<626x80xf32, #tpu.memory_space<vmem>>, vector<1x16xf32>,
        %swap3A_29 = vector.shape_cast %swap3A_28 : vector<1x16xf32> to vector<16xf32>
        %swap3A_30 = vector.shape_cast %broadcast_in_dim3A_0 : vector<16xf32> to vector<1x16xf32>
        tpu.vector_store %arg9[%swap3A, %swap3A_27], %swap3A_30 {strides = array<i32>} : memref<626x80xf32, #tpu.memory_space<vmem>>, vector<1x16xf32>,
      }
      %scan3A_23 = arith.constant 5 : i32
    }
    %scan3A_5 = arith.constant 626 : i32
    %mul3A = arith.constant 626 : i32
    %mul3A_6 = arith.muli %arg1, %mul3A : i32
    "tpu.region"() ({
      %run_scoped3A = tpu.sem_alloc : memref<!tpu.dma_semaphore, #tpu.memory_space<semaphore_mem>>
      %dma_start3A = arith.constant 0 : i32
      %dma_start3A_18 = tpu.memref_slice %arg10[%mul3A_6, %dma_start3A] : memref<10016x80xf32, #tpu.memory_space<vmem_shared>> -> memref<626x80xf32, #tpu.memory_space<vmem_shared>>
      %dma_start3A_19 = arith.constant 0 : i32
      %dma_start3A_20 = tpu.memref_slice %arg10[%mul3A_6, %dma_start3A_19] : memref<10016x80xf32, #tpu.memory_space<vmem_shared>> -> memref<626x80xf32, #tpu.memory_space<vmem_shared>>
      tpu.enqueue_dma source(%arg9 : memref<626x80xf32, #tpu.memory_space<vmem>>) target(%dma_start3A_20 : memref<626x80xf32, #tpu.memory_space<vmem_shared>>) target_semaphore(%run_scoped3A : memref<!tpu.dma_semaphore, #tpu.memory_space<semaphore_mem>>)
      %dma_wait3A = arith.constant 0 : i32
      %dma_wait3A_21 = tpu.memref_slice %arg10[%mul3A_6, %dma_wait3A] : memref<10016x80xf32, #tpu.memory_space<vmem_shared>> -> memref<626x80xf32, #tpu.memory_space<vmem_shared>>
      %dma_wait3A_22 = arith.constant 0 : i32
      %dma_wait3A_23 = tpu.memref_slice %arg10[%mul3A_6, %dma_wait3A_22] : memref<10016x80xf32, #tpu.memory_space<vmem_shared>> -> memref<626x80xf32, #tpu.memory_space<vmem_shared>>
      tpu.wait_dma2 semaphore(%run_scoped3A : memref<!tpu.dma_semaphore, #tpu.memory_space<semaphore_mem>>) src(%arg9 : memref<626x80xf32, #tpu.memory_space<vmem>>) dst(%dma_wait3A_23 : memref<626x80xf32, #tpu.memory_space<vmem_shared>>)
      tpu.yield
    }) : () -> ()
    %barrier3A = arith.constant 0 : index
    tpu.barrier barrier_id(%barrier3A)
    %scan3A_7 = arith.constant 0 : i32
    %scan3A_8 = arith.constant 0 : i32
    %scan3A_9 = arith.constant 80 : i32
    %scan3A_10 = arith.addi %scan3A_8, %scan3A_9 : i32
    %scan3A_11 = arith.constant 1 : i32
    scf.for %scan3A_18 = %scan3A_8 to %scan3A_10 step %scan3A_11  : i32 {
      %dma_start3A = arith.constant 0 : i32
      %dma_start3A_19 = tpu.memref_slice %arg6[%scan3A_18, %dma_start3A] : memref<80x128xi32, #tpu.memory_space<vmem>> -> memref<1x128xi32, #tpu.memory_space<vmem>>
      %dma_start3A_20 = tpu.memref_squeeze %dma_start3A_19 : memref<1x128xi32, #tpu.memory_space<vmem>> -> memref<128xi32, #tpu.memory_space<vmem>>
      %dma_start3A_21 = arith.constant 0 : i32
      %dma_start3A_22 = arith.constant 0 : i32
      %dma_start3A_23 = tpu.memref_slice %arg2[%dma_start3A_21, %dma_start3A_22] : memref<10000x80xf32, #tpu.memory_space<hbm>> -> memref<10000x80xf32, #tpu.memory_space<hbm>>
      tpu.enqueue_indirect_dma source(%dma_start3A_23 : memref<10000x80xf32, #tpu.memory_space<hbm>>) target(%arg8 : memref<128x80xf32, #tpu.memory_space<vmem>>) offsets(%dma_start3A_20 : memref<128xi32, #tpu.memory_space<vmem>>) semaphore(%arg11 : memref<!tpu.dma_semaphore, #tpu.memory_space<semaphore_mem>>)
      %dma_wait3A = arith.constant 0 : i32
      %dma_wait3A_24 = tpu.memref_slice %arg6[%scan3A_18, %dma_wait3A] : memref<80x128xi32, #tpu.memory_space<vmem>> -> memref<1x128xi32, #tpu.memory_space<vmem>>
      %dma_wait3A_25 = tpu.memref_squeeze %dma_wait3A_24 : memref<1x128xi32, #tpu.memory_space<vmem>> -> memref<128xi32, #tpu.memory_space<vmem>>
      %dma_wait3A_26 = arith.constant 0 : i32
      %dma_wait3A_27 = arith.constant 0 : i32
      %dma_wait3A_28 = tpu.memref_slice %arg2[%dma_wait3A_26, %dma_wait3A_27] : memref<10000x80xf32, #tpu.memory_space<hbm>> -> memref<10000x80xf32, #tpu.memory_space<hbm>>
      tpu.wait_indirect_dma semaphore(%arg11 : memref<!tpu.dma_semaphore, #tpu.memory_space<semaphore_mem>>) src(%dma_wait3A_28 : memref<10000x80xf32, #tpu.memory_space<hbm>>) dst(%arg8 : memref<128x80xf32, #tpu.memory_space<vmem>>)
      "tpu.region"() ({
        %run_scoped3A = tpu.sem_alloc : memref<!tpu.dma_semaphore, #tpu.memory_space<semaphore_mem>>
        %dma_start3A_29 = arith.constant 0 : i32
        %dma_start3A_30 = tpu.memref_slice %arg7[%scan3A_18, %dma_start3A_29] : memref<80x128xi32, #tpu.memory_space<vmem>> -> memref<1x128xi32, #tpu.memory_space<vmem>>
        %dma_start3A_31 = tpu.memref_squeeze %dma_start3A_30 : memref<1x128xi32, #tpu.memory_space<vmem>> -> memref<128xi32, #tpu.memory_space<vmem>>
        %dma_start3A_32 = arith.constant 0 : i32
        %dma_start3A_33 = arith.constant 0 : i32
        %dma_start3A_34 = tpu.memref_slice %arg10[%dma_start3A_32, %dma_start3A_33] : memref<10016x80xf32, #tpu.memory_space<vmem_shared>> -> memref<10016x80xf32, #tpu.memory_space<vmem_shared>>
        tpu.enqueue_indirect_dma source(%arg8 : memref<128x80xf32, #tpu.memory_space<vmem>>) target(%dma_start3A_34 : memref<10016x80xf32, #tpu.memory_space<vmem_shared>>) offsets(%dma_start3A_31 : memref<128xi32, #tpu.memory_space<vmem>>) semaphore(%run_scoped3A : memref<!tpu.dma_semaphore, #tpu.memory_space<semaphore_mem>>) {add = true}
        %dma_wait3A_35 = arith.constant 0 : i32
        %dma_wait3A_36 = tpu.memref_slice %arg7[%scan3A_18, %dma_wait3A_35] : memref<80x128xi32, #tpu.memory_space<vmem>> -> memref<1x128xi32, #tpu.memory_space<vmem>>
        %dma_wait3A_37 = tpu.memref_squeeze %dma_wait3A_36 : memref<1x128xi32, #tpu.memory_space<vmem>> -> memref<128xi32, #tpu.memory_space<vmem>>
        %dma_wait3A_38 = arith.constant 0 : i32
        %dma_wait3A_39 = arith.constant 0 : i32
        %dma_wait3A_40 = tpu.memref_slice %arg10[%dma_wait3A_38, %dma_wait3A_39] : memref<10016x80xf32, #tpu.memory_space<vmem_shared>> -> memref<10016x80xf32, #tpu.memory_space<vmem_shared>>
        tpu.wait_indirect_dma semaphore(%run_scoped3A : memref<!tpu.dma_semaphore, #tpu.memory_space<semaphore_mem>>) src(%arg8 : memref<128x80xf32, #tpu.memory_space<vmem>>) dst(%dma_wait3A_40 : memref<10016x80xf32, #tpu.memory_space<vmem_shared>>)
        tpu.yield
      }) : () -> ()
    }
    %scan3A_12 = arith.constant 80 : i32
    %barrier3A_13 = arith.constant 0 : index
    tpu.barrier barrier_id(%barrier3A_13)
    %mul3A_14 = arith.constant 626 : i32
    %mul3A_15 = arith.muli %arg1, %mul3A_14 : i32
    "tpu.region"() ({
      %run_scoped3A = tpu.sem_alloc : memref<!tpu.dma_semaphore, #tpu.memory_space<semaphore_mem>>
      %dma_start3A = arith.constant 0 : i32
      %dma_start3A_18 = tpu.memref_slice %arg10[%mul3A_15, %dma_start3A] : memref<10016x80xf32, #tpu.memory_space<vmem_shared>> -> memref<626x80xf32, #tpu.memory_space<vmem_shared>>
      %dma_start3A_19 = arith.constant 0 : i32
      %dma_start3A_20 = tpu.memref_slice %arg10[%mul3A_15, %dma_start3A_19] : memref<10016x80xf32, #tpu.memory_space<vmem_shared>> -> memref<626x80xf32, #tpu.memory_space<vmem_shared>>
      tpu.enqueue_dma source(%dma_start3A_20 : memref<626x80xf32, #tpu.memory_space<vmem_shared>>) target(%arg9 : memref<626x80xf32, #tpu.memory_space<vmem>>) target_semaphore(%run_scoped3A : memref<!tpu.dma_semaphore, #tpu.memory_space<semaphore_mem>>)
      %dma_wait3A = arith.constant 0 : i32
      %dma_wait3A_21 = tpu.memref_slice %arg10[%mul3A_15, %dma_wait3A] : memref<10016x80xf32, #tpu.memory_space<vmem_shared>> -> memref<626x80xf32, #tpu.memory_space<vmem_shared>>
      %dma_wait3A_22 = arith.constant 0 : i32
      %dma_wait3A_23 = tpu.memref_slice %arg10[%mul3A_15, %dma_wait3A_22] : memref<10016x80xf32, #tpu.memory_space<vmem_shared>> -> memref<626x80xf32, #tpu.memory_space<vmem_shared>>
      tpu.wait_dma2 semaphore(%run_scoped3A : memref<!tpu.dma_semaphore, #tpu.memory_space<semaphore_mem>>) src(%dma_wait3A_23 : memref<626x80xf32, #tpu.memory_space<vmem_shared>>) dst(%arg9 : memref<626x80xf32, #tpu.memory_space<vmem>>)
      tpu.yield
    }) : () -> ()
    %mul3A_16 = arith.constant 626 : i32
    %mul3A_17 = arith.muli %arg1, %mul3A_16 : i32
    "tpu.region"() ({
      %run_scoped3A = tpu.sem_alloc : memref<!tpu.dma_semaphore, #tpu.memory_space<semaphore_mem>>
      %dma_start3A = arith.constant 0 : i32
      %dma_start3A_18 = tpu.memref_slice %arg5[%arg0, %mul3A_17, %dma_start3A] : memref<2x10016x80xf32, #tpu.memory_space<hbm>> -> memref<1x626x80xf32, #tpu.memory_space<hbm>>
      %dma_start3A_19 = tpu.memref_squeeze %dma_start3A_18 : memref<1x626x80xf32, #tpu.memory_space<hbm>> -> memref<626x80xf32, #tpu.memory_space<hbm>>
      %dma_start3A_20 = arith.constant 0 : i32
      %dma_start3A_21 = tpu.memref_slice %arg5[%arg0, %mul3A_17, %dma_start3A_20] : memref<2x10016x80xf32, #tpu.memory_space<hbm>> -> memref<1x626x80xf32, #tpu.memory_space<hbm>>
      %dma_start3A_22 = tpu.memref_squeeze %dma_start3A_21 : memref<1x626x80xf32, #tpu.memory_space<hbm>> -> memref<626x80xf32, #tpu.memory_space<hbm>>
      tpu.enqueue_dma source(%arg9 : memref<626x80xf32, #tpu.memory_space<vmem>>) target(%dma_start3A_22 : memref<626x80xf32, #tpu.memory_space<hbm>>) target_semaphore(%run_scoped3A : memref<!tpu.dma_semaphore, #tpu.memory_space<semaphore_mem>>)
      %dma_wait3A = arith.constant 0 : i32
      %dma_wait3A_23 = tpu.memref_slice %arg5[%arg0, %mul3A_17, %dma_wait3A] : memref<2x10016x80xf32, #tpu.memory_space<hbm>> -> memref<1x626x80xf32, #tpu.memory_space<hbm>>
      %dma_wait3A_24 = tpu.memref_squeeze %dma_wait3A_23 : memref<1x626x80xf32, #tpu.memory_space<hbm>> -> memref<626x80xf32, #tpu.memory_space<hbm>>
      %dma_wait3A_25 = arith.constant 0 : i32
      %dma_wait3A_26 = tpu.memref_slice %arg5[%arg0, %mul3A_17, %dma_wait3A_25] : memref<2x10016x80xf32, #tpu.memory_space<hbm>> -> memref<1x626x80xf32, #tpu.memory_space<hbm>>
      %dma_wait3A_27 = tpu.memref_squeeze %dma_wait3A_26 : memref<1x626x80xf32, #tpu.memory_space<hbm>> -> memref<626x80xf32, #tpu.memory_space<hbm>>
      tpu.wait_dma2 semaphore(%run_scoped3A : memref<!tpu.dma_semaphore, #tpu.memory_space<semaphore_mem>>) src(%arg9 : memref<626x80xf32, #tpu.memory_space<vmem>>) dst(%dma_wait3A_27 : memref<626x80xf32, #tpu.memory_space<hbm>>)
      tpu.yield
    }) : () -> ()
    return
  }
}

#map = affine_map<(d0, d1) -> (0, 0)>
#map1 = affine_map<(d0, d1) -> (0, 0, 0, 0)>
#map2 = affine_map<(d0, d1) -> (0, 0, 0)>
module attributes {stable_mosaic.version = 14 : i64} {
  func.func @seg_kernel(%arg0: i32, %arg1: i32, %arg2: memref<10000x16xf32, #tpu.memory_space<hbm>>, %arg3: memref<2x16x80x128xi32, #tpu.memory_space<hbm>>, %arg4: memref<2x16x80x128xi32, #tpu.memory_space<hbm>>, %arg5: memref<2x10016x16xf32, #tpu.memory_space<hbm>>, %arg6: memref<80x128xi32, #tpu.memory_space<vmem>>, %arg7: memref<80x128xi32, #tpu.memory_space<vmem>>, %arg8: memref<128x16xf32, #tpu.memory_space<vmem>>, %arg9: memref<626x16xf32, #tpu.memory_space<vmem>>, %arg10: memref<10016x16xf32, #tpu.memory_space<vmem_shared>>, %arg11: memref<!tpu.dma_semaphore, #tpu.memory_space<semaphore_mem>>) attributes {dimension_semantics = [#tpu.dimension_semantics<core_parallel>, #tpu.dimension_semantics<subcore_parallel>], iteration_bounds = array<i64: 2, 16>, scalar_prefetch = 0 : i64, scratch_operands = 6 : i64, tpu.core_type = #tpu.core_type<sc_vector_subcore>, window_params = [{transform_indices = #map}, {transform_indices = #map1}, {transform_indices = #map1}, {transform_indices = #map2}]} {
    "tpu.region"() ({
      %run_scoped3A = tpu.sem_alloc : memref<!tpu.dma_semaphore, #tpu.memory_space<semaphore_mem>>
      %dma_start3A = arith.constant 0 : i32
      %dma_start3A_18 = arith.constant 0 : i32
      %dma_start3A_19 = tpu.memref_slice %arg3[%arg0, %arg1, %dma_start3A, %dma_start3A_18] : memref<2x16x80x128xi32, #tpu.memory_space<hbm>> -> memref<1x1x80x128xi32, #tpu.memory_space<hbm>>
      %dma_start3A_20 = tpu.memref_squeeze %dma_start3A_19 : memref<1x1x80x128xi32, #tpu.memory_space<hbm>> -> memref<80x128xi32, #tpu.memory_space<hbm>>
      %dma_start3A_21 = arith.constant 0 : i32
      %dma_start3A_22 = arith.constant 0 : i32
      %dma_start3A_23 = tpu.memref_slice %arg3[%arg0, %arg1, %dma_start3A_21, %dma_start3A_22] : memref<2x16x80x128xi32, #tpu.memory_space<hbm>> -> memref<1x1x80x128xi32, #tpu.memory_space<hbm>>
      %dma_start3A_24 = tpu.memref_squeeze %dma_start3A_23 : memref<1x1x80x128xi32, #tpu.memory_space<hbm>> -> memref<80x128xi32, #tpu.memory_space<hbm>>
      tpu.enqueue_dma source(%dma_start3A_24 : memref<80x128xi32, #tpu.memory_space<hbm>>) target(%arg6 : memref<80x128xi32, #tpu.memory_space<vmem>>) target_semaphore(%run_scoped3A : memref<!tpu.dma_semaphore, #tpu.memory_space<semaphore_mem>>)
      %dma_wait3A = arith.constant 0 : i32
      %dma_wait3A_25 = arith.constant 0 : i32
      %dma_wait3A_26 = tpu.memref_slice %arg3[%arg0, %arg1, %dma_wait3A, %dma_wait3A_25] : memref<2x16x80x128xi32, #tpu.memory_space<hbm>> -> memref<1x1x80x128xi32, #tpu.memory_space<hbm>>
      %dma_wait3A_27 = tpu.memref_squeeze %dma_wait3A_26 : memref<1x1x80x128xi32, #tpu.memory_space<hbm>> -> memref<80x128xi32, #tpu.memory_space<hbm>>
      %dma_wait3A_28 = arith.constant 0 : i32
      %dma_wait3A_29 = arith.constant 0 : i32
      %dma_wait3A_30 = tpu.memref_slice %arg3[%arg0, %arg1, %dma_wait3A_28, %dma_wait3A_29] : memref<2x16x80x128xi32, #tpu.memory_space<hbm>> -> memref<1x1x80x128xi32, #tpu.memory_space<hbm>>
      %dma_wait3A_31 = tpu.memref_squeeze %dma_wait3A_30 : memref<1x1x80x128xi32, #tpu.memory_space<hbm>> -> memref<80x128xi32, #tpu.memory_space<hbm>>
      tpu.wait_dma2 semaphore(%run_scoped3A : memref<!tpu.dma_semaphore, #tpu.memory_space<semaphore_mem>>) src(%dma_wait3A_31 : memref<80x128xi32, #tpu.memory_space<hbm>>) dst(%arg6 : memref<80x128xi32, #tpu.memory_space<vmem>>)
      tpu.yield
    }) : () -> ()
    "tpu.region"() ({
      %run_scoped3A = tpu.sem_alloc : memref<!tpu.dma_semaphore, #tpu.memory_space<semaphore_mem>>
      %dma_start3A = arith.constant 0 : i32
      %dma_start3A_18 = arith.constant 0 : i32
      %dma_start3A_19 = tpu.memref_slice %arg4[%arg0, %arg1, %dma_start3A, %dma_start3A_18] : memref<2x16x80x128xi32, #tpu.memory_space<hbm>> -> memref<1x1x80x128xi32, #tpu.memory_space<hbm>>
      %dma_start3A_20 = tpu.memref_squeeze %dma_start3A_19 : memref<1x1x80x128xi32, #tpu.memory_space<hbm>> -> memref<80x128xi32, #tpu.memory_space<hbm>>
      %dma_start3A_21 = arith.constant 0 : i32
      %dma_start3A_22 = arith.constant 0 : i32
      %dma_start3A_23 = tpu.memref_slice %arg4[%arg0, %arg1, %dma_start3A_21, %dma_start3A_22] : memref<2x16x80x128xi32, #tpu.memory_space<hbm>> -> memref<1x1x80x128xi32, #tpu.memory_space<hbm>>
      %dma_start3A_24 = tpu.memref_squeeze %dma_start3A_23 : memref<1x1x80x128xi32, #tpu.memory_space<hbm>> -> memref<80x128xi32, #tpu.memory_space<hbm>>
      tpu.enqueue_dma source(%dma_start3A_24 : memref<80x128xi32, #tpu.memory_space<hbm>>) target(%arg7 : memref<80x128xi32, #tpu.memory_space<vmem>>) target_semaphore(%run_scoped3A : memref<!tpu.dma_semaphore, #tpu.memory_space<semaphore_mem>>)
      %dma_wait3A = arith.constant 0 : i32
      %dma_wait3A_25 = arith.constant 0 : i32
      %dma_wait3A_26 = tpu.memref_slice %arg4[%arg0, %arg1, %dma_wait3A, %dma_wait3A_25] : memref<2x16x80x128xi32, #tpu.memory_space<hbm>> -> memref<1x1x80x128xi32, #tpu.memory_space<hbm>>
      %dma_wait3A_27 = tpu.memref_squeeze %dma_wait3A_26 : memref<1x1x80x128xi32, #tpu.memory_space<hbm>> -> memref<80x128xi32, #tpu.memory_space<hbm>>
      %dma_wait3A_28 = arith.constant 0 : i32
      %dma_wait3A_29 = arith.constant 0 : i32
      %dma_wait3A_30 = tpu.memref_slice %arg4[%arg0, %arg1, %dma_wait3A_28, %dma_wait3A_29] : memref<2x16x80x128xi32, #tpu.memory_space<hbm>> -> memref<1x1x80x128xi32, #tpu.memory_space<hbm>>
      %dma_wait3A_31 = tpu.memref_squeeze %dma_wait3A_30 : memref<1x1x80x128xi32, #tpu.memory_space<hbm>> -> memref<80x128xi32, #tpu.memory_space<hbm>>
      tpu.wait_dma2 semaphore(%run_scoped3A : memref<!tpu.dma_semaphore, #tpu.memory_space<semaphore_mem>>) src(%dma_wait3A_31 : memref<80x128xi32, #tpu.memory_space<hbm>>) dst(%arg7 : memref<80x128xi32, #tpu.memory_space<vmem>>)
      tpu.yield
    }) : () -> ()
    %broadcast_in_dim3A = arith.constant 0.000000e+00 : f32
    %broadcast_in_dim3A_0 = vector.broadcast %broadcast_in_dim3A : f32 to vector<16xf32>
    %scan3A = arith.constant 0 : i32
    %scan3A_1 = arith.constant 0 : i32
    %scan3A_2 = arith.constant 626 : i32
    %scan3A_3 = arith.addi %scan3A_1, %scan3A_2 : i32
    %scan3A_4 = arith.constant 1 : i32
    scf.for %scan3A_18 = %scan3A_1 to %scan3A_3 step %scan3A_4  : i32 {
      %scan3A_19 = arith.constant 0 : i32
      %mul3A_20 = arith.constant 16 : i32
      %mul3A_21 = arith.muli %scan3A_19, %mul3A_20 : i32
      %swap3A = arith.index_cast %scan3A_18 : i32 to index
      %swap3A_22 = arith.index_cast %mul3A_21 : i32 to index
      %swap3A_23 = tpu.vector_load %arg9[%swap3A, %swap3A_22] {strides = array<i32>} : memref<626x16xf32, #tpu.memory_space<vmem>>, vector<1x16xf32>,
      %swap3A_24 = vector.shape_cast %swap3A_23 : vector<1x16xf32> to vector<16xf32>
      %swap3A_25 = vector.shape_cast %broadcast_in_dim3A_0 : vector<16xf32> to vector<1x16xf32>
      tpu.vector_store %arg9[%swap3A, %swap3A_22], %swap3A_25 {strides = array<i32>} : memref<626x16xf32, #tpu.memory_space<vmem>>, vector<1x16xf32>,
      %scan3A_26 = arith.constant 1 : i32
    }
    %scan3A_5 = arith.constant 626 : i32
    %mul3A = arith.constant 626 : i32
    %mul3A_6 = arith.muli %arg1, %mul3A : i32
    "tpu.region"() ({
      %run_scoped3A = tpu.sem_alloc : memref<!tpu.dma_semaphore, #tpu.memory_space<semaphore_mem>>
      %dma_start3A = arith.constant 0 : i32
      %dma_start3A_18 = tpu.memref_slice %arg10[%mul3A_6, %dma_start3A] : memref<10016x16xf32, #tpu.memory_space<vmem_shared>> -> memref<626x16xf32, #tpu.memory_space<vmem_shared>>
      %dma_start3A_19 = arith.constant 0 : i32
      %dma_start3A_20 = tpu.memref_slice %arg10[%mul3A_6, %dma_start3A_19] : memref<10016x16xf32, #tpu.memory_space<vmem_shared>> -> memref<626x16xf32, #tpu.memory_space<vmem_shared>>
      tpu.enqueue_dma source(%arg9 : memref<626x16xf32, #tpu.memory_space<vmem>>) target(%dma_start3A_20 : memref<626x16xf32, #tpu.memory_space<vmem_shared>>) target_semaphore(%run_scoped3A : memref<!tpu.dma_semaphore, #tpu.memory_space<semaphore_mem>>)
      %dma_wait3A = arith.constant 0 : i32
      %dma_wait3A_21 = tpu.memref_slice %arg10[%mul3A_6, %dma_wait3A] : memref<10016x16xf32, #tpu.memory_space<vmem_shared>> -> memref<626x16xf32, #tpu.memory_space<vmem_shared>>
      %dma_wait3A_22 = arith.constant 0 : i32
      %dma_wait3A_23 = tpu.memref_slice %arg10[%mul3A_6, %dma_wait3A_22] : memref<10016x16xf32, #tpu.memory_space<vmem_shared>> -> memref<626x16xf32, #tpu.memory_space<vmem_shared>>
      tpu.wait_dma2 semaphore(%run_scoped3A : memref<!tpu.dma_semaphore, #tpu.memory_space<semaphore_mem>>) src(%arg9 : memref<626x16xf32, #tpu.memory_space<vmem>>) dst(%dma_wait3A_23 : memref<626x16xf32, #tpu.memory_space<vmem_shared>>)
      tpu.yield
    }) : () -> ()
    %barrier3A = arith.constant 0 : index
    tpu.barrier barrier_id(%barrier3A)
    %scan3A_7 = arith.constant 0 : i32
    %scan3A_8 = arith.constant 0 : i32
    %scan3A_9 = arith.constant 80 : i32
    %scan3A_10 = arith.addi %scan3A_8, %scan3A_9 : i32
    %scan3A_11 = arith.constant 1 : i32
    scf.for %scan3A_18 = %scan3A_8 to %scan3A_10 step %scan3A_11  : i32 {
      %dma_start3A = arith.constant 0 : i32
      %dma_start3A_19 = tpu.memref_slice %arg6[%scan3A_18, %dma_start3A] : memref<80x128xi32, #tpu.memory_space<vmem>> -> memref<1x128xi32, #tpu.memory_space<vmem>>
      %dma_start3A_20 = tpu.memref_squeeze %dma_start3A_19 : memref<1x128xi32, #tpu.memory_space<vmem>> -> memref<128xi32, #tpu.memory_space<vmem>>
      %dma_start3A_21 = arith.constant 0 : i32
      %dma_start3A_22 = arith.constant 0 : i32
      %dma_start3A_23 = tpu.memref_slice %arg2[%dma_start3A_21, %dma_start3A_22] : memref<10000x16xf32, #tpu.memory_space<hbm>> -> memref<10000x16xf32, #tpu.memory_space<hbm>>
      tpu.enqueue_indirect_dma source(%dma_start3A_23 : memref<10000x16xf32, #tpu.memory_space<hbm>>) target(%arg8 : memref<128x16xf32, #tpu.memory_space<vmem>>) offsets(%dma_start3A_20 : memref<128xi32, #tpu.memory_space<vmem>>) semaphore(%arg11 : memref<!tpu.dma_semaphore, #tpu.memory_space<semaphore_mem>>)
      %dma_wait3A = arith.constant 0 : i32
      %dma_wait3A_24 = tpu.memref_slice %arg6[%scan3A_18, %dma_wait3A] : memref<80x128xi32, #tpu.memory_space<vmem>> -> memref<1x128xi32, #tpu.memory_space<vmem>>
      %dma_wait3A_25 = tpu.memref_squeeze %dma_wait3A_24 : memref<1x128xi32, #tpu.memory_space<vmem>> -> memref<128xi32, #tpu.memory_space<vmem>>
      %dma_wait3A_26 = arith.constant 0 : i32
      %dma_wait3A_27 = arith.constant 0 : i32
      %dma_wait3A_28 = tpu.memref_slice %arg2[%dma_wait3A_26, %dma_wait3A_27] : memref<10000x16xf32, #tpu.memory_space<hbm>> -> memref<10000x16xf32, #tpu.memory_space<hbm>>
      tpu.wait_indirect_dma semaphore(%arg11 : memref<!tpu.dma_semaphore, #tpu.memory_space<semaphore_mem>>) src(%dma_wait3A_28 : memref<10000x16xf32, #tpu.memory_space<hbm>>) dst(%arg8 : memref<128x16xf32, #tpu.memory_space<vmem>>)
      "tpu.region"() ({
        %run_scoped3A = tpu.sem_alloc : memref<!tpu.dma_semaphore, #tpu.memory_space<semaphore_mem>>
        %dma_start3A_29 = arith.constant 0 : i32
        %dma_start3A_30 = tpu.memref_slice %arg7[%scan3A_18, %dma_start3A_29] : memref<80x128xi32, #tpu.memory_space<vmem>> -> memref<1x128xi32, #tpu.memory_space<vmem>>
        %dma_start3A_31 = tpu.memref_squeeze %dma_start3A_30 : memref<1x128xi32, #tpu.memory_space<vmem>> -> memref<128xi32, #tpu.memory_space<vmem>>
        %dma_start3A_32 = arith.constant 0 : i32
        %dma_start3A_33 = arith.constant 0 : i32
        %dma_start3A_34 = tpu.memref_slice %arg10[%dma_start3A_32, %dma_start3A_33] : memref<10016x16xf32, #tpu.memory_space<vmem_shared>> -> memref<10016x16xf32, #tpu.memory_space<vmem_shared>>
        tpu.enqueue_indirect_dma source(%arg8 : memref<128x16xf32, #tpu.memory_space<vmem>>) target(%dma_start3A_34 : memref<10016x16xf32, #tpu.memory_space<vmem_shared>>) offsets(%dma_start3A_31 : memref<128xi32, #tpu.memory_space<vmem>>) semaphore(%run_scoped3A : memref<!tpu.dma_semaphore, #tpu.memory_space<semaphore_mem>>) {add = true}
        %dma_wait3A_35 = arith.constant 0 : i32
        %dma_wait3A_36 = tpu.memref_slice %arg7[%scan3A_18, %dma_wait3A_35] : memref<80x128xi32, #tpu.memory_space<vmem>> -> memref<1x128xi32, #tpu.memory_space<vmem>>
        %dma_wait3A_37 = tpu.memref_squeeze %dma_wait3A_36 : memref<1x128xi32, #tpu.memory_space<vmem>> -> memref<128xi32, #tpu.memory_space<vmem>>
        %dma_wait3A_38 = arith.constant 0 : i32
        %dma_wait3A_39 = arith.constant 0 : i32
        %dma_wait3A_40 = tpu.memref_slice %arg10[%dma_wait3A_38, %dma_wait3A_39] : memref<10016x16xf32, #tpu.memory_space<vmem_shared>> -> memref<10016x16xf32, #tpu.memory_space<vmem_shared>>
        tpu.wait_indirect_dma semaphore(%run_scoped3A : memref<!tpu.dma_semaphore, #tpu.memory_space<semaphore_mem>>) src(%arg8 : memref<128x16xf32, #tpu.memory_space<vmem>>) dst(%dma_wait3A_40 : memref<10016x16xf32, #tpu.memory_space<vmem_shared>>)
        tpu.yield
      }) : () -> ()
    }
    %scan3A_12 = arith.constant 80 : i32
    %barrier3A_13 = arith.constant 0 : index
    tpu.barrier barrier_id(%barrier3A_13)
    %mul3A_14 = arith.constant 626 : i32
    %mul3A_15 = arith.muli %arg1, %mul3A_14 : i32
    "tpu.region"() ({
      %run_scoped3A = tpu.sem_alloc : memref<!tpu.dma_semaphore, #tpu.memory_space<semaphore_mem>>
      %dma_start3A = arith.constant 0 : i32
      %dma_start3A_18 = tpu.memref_slice %arg10[%mul3A_15, %dma_start3A] : memref<10016x16xf32, #tpu.memory_space<vmem_shared>> -> memref<626x16xf32, #tpu.memory_space<vmem_shared>>
      %dma_start3A_19 = arith.constant 0 : i32
      %dma_start3A_20 = tpu.memref_slice %arg10[%mul3A_15, %dma_start3A_19] : memref<10016x16xf32, #tpu.memory_space<vmem_shared>> -> memref<626x16xf32, #tpu.memory_space<vmem_shared>>
      tpu.enqueue_dma source(%dma_start3A_20 : memref<626x16xf32, #tpu.memory_space<vmem_shared>>) target(%arg9 : memref<626x16xf32, #tpu.memory_space<vmem>>) target_semaphore(%run_scoped3A : memref<!tpu.dma_semaphore, #tpu.memory_space<semaphore_mem>>)
      %dma_wait3A = arith.constant 0 : i32
      %dma_wait3A_21 = tpu.memref_slice %arg10[%mul3A_15, %dma_wait3A] : memref<10016x16xf32, #tpu.memory_space<vmem_shared>> -> memref<626x16xf32, #tpu.memory_space<vmem_shared>>
      %dma_wait3A_22 = arith.constant 0 : i32
      %dma_wait3A_23 = tpu.memref_slice %arg10[%mul3A_15, %dma_wait3A_22] : memref<10016x16xf32, #tpu.memory_space<vmem_shared>> -> memref<626x16xf32, #tpu.memory_space<vmem_shared>>
      tpu.wait_dma2 semaphore(%run_scoped3A : memref<!tpu.dma_semaphore, #tpu.memory_space<semaphore_mem>>) src(%dma_wait3A_23 : memref<626x16xf32, #tpu.memory_space<vmem_shared>>) dst(%arg9 : memref<626x16xf32, #tpu.memory_space<vmem>>)
      tpu.yield
    }) : () -> ()
    %mul3A_16 = arith.constant 626 : i32
    %mul3A_17 = arith.muli %arg1, %mul3A_16 : i32
    "tpu.region"() ({
      %run_scoped3A = tpu.sem_alloc : memref<!tpu.dma_semaphore, #tpu.memory_space<semaphore_mem>>
      %dma_start3A = arith.constant 0 : i32
      %dma_start3A_18 = tpu.memref_slice %arg5[%arg0, %mul3A_17, %dma_start3A] : memref<2x10016x16xf32, #tpu.memory_space<hbm>> -> memref<1x626x16xf32, #tpu.memory_space<hbm>>
      %dma_start3A_19 = tpu.memref_squeeze %dma_start3A_18 : memref<1x626x16xf32, #tpu.memory_space<hbm>> -> memref<626x16xf32, #tpu.memory_space<hbm>>
      %dma_start3A_20 = arith.constant 0 : i32
      %dma_start3A_21 = tpu.memref_slice %arg5[%arg0, %mul3A_17, %dma_start3A_20] : memref<2x10016x16xf32, #tpu.memory_space<hbm>> -> memref<1x626x16xf32, #tpu.memory_space<hbm>>
      %dma_start3A_22 = tpu.memref_squeeze %dma_start3A_21 : memref<1x626x16xf32, #tpu.memory_space<hbm>> -> memref<626x16xf32, #tpu.memory_space<hbm>>
      tpu.enqueue_dma source(%arg9 : memref<626x16xf32, #tpu.memory_space<vmem>>) target(%dma_start3A_22 : memref<626x16xf32, #tpu.memory_space<hbm>>) target_semaphore(%run_scoped3A : memref<!tpu.dma_semaphore, #tpu.memory_space<semaphore_mem>>)
      %dma_wait3A = arith.constant 0 : i32
      %dma_wait3A_23 = tpu.memref_slice %arg5[%arg0, %mul3A_17, %dma_wait3A] : memref<2x10016x16xf32, #tpu.memory_space<hbm>> -> memref<1x626x16xf32, #tpu.memory_space<hbm>>
      %dma_wait3A_24 = tpu.memref_squeeze %dma_wait3A_23 : memref<1x626x16xf32, #tpu.memory_space<hbm>> -> memref<626x16xf32, #tpu.memory_space<hbm>>
      %dma_wait3A_25 = arith.constant 0 : i32
      %dma_wait3A_26 = tpu.memref_slice %arg5[%arg0, %mul3A_17, %dma_wait3A_25] : memref<2x10016x16xf32, #tpu.memory_space<hbm>> -> memref<1x626x16xf32, #tpu.memory_space<hbm>>
      %dma_wait3A_27 = tpu.memref_squeeze %dma_wait3A_26 : memref<1x626x16xf32, #tpu.memory_space<hbm>> -> memref<626x16xf32, #tpu.memory_space<hbm>>
      tpu.wait_dma2 semaphore(%run_scoped3A : memref<!tpu.dma_semaphore, #tpu.memory_space<semaphore_mem>>) src(%arg9 : memref<626x16xf32, #tpu.memory_space<vmem>>) dst(%dma_wait3A_27 : memref<626x16xf32, #tpu.memory_space<hbm>>)
      tpu.yield
    }) : () -> ()
    return
  }
}

module attributes {stable_mosaic.version = 14 : i64} {
  func.func @_tc1_body(%arg0: memref<10000x128xf32, #tpu.memory_space<vmem>>, %arg1: memref<128x64xf32, #tpu.memory_space<vmem>>, %arg2: memref<128x64xf32, #tpu.memory_space<vmem>>, %arg3: memref<10000x80xf32, #tpu.memory_space<vmem>>, %arg4: memref<10000x64xf32, #tpu.memory_space<vmem>>) attributes {dimension_semantics = [], scalar_prefetch = 0 : i64, scratch_operands = 0 : i64, tpu.core_type = #tpu.core_type<tc>} {
    %get3A = arith.constant 0 : index
    %get3A_0 = arith.constant 0 : index
    %get3A_1 = vector.load %arg0[%get3A, %get3A_0] : memref<10000x128xf32, #tpu.memory_space<vmem>>, vector<10000x128xf32>
    %get3A_2 = arith.constant 0 : index
    %get3A_3 = arith.constant 0 : index
    %get3A_4 = vector.load %arg1[%get3A_2, %get3A_3] : memref<128x64xf32, #tpu.memory_space<vmem>>, vector<128x64xf32>
    %dot_general3A = arith.constant dense<0.000000e+00> : vector<10000x64xf32>
    %dot_general3A_5 = tpu.matmul %get3A_1, %get3A_4, %dot_general3A {dimension_numbers = #tpu.dot_dimension_numbers<[1], [0], [0], [1], [0, 0, 1, 1], [], []>, transpose_lhs_hint = false} : vector<10000x128xf32>, vector<128x64xf32>, vector<10000x64xf32> -> vector<10000x64xf32>
    %swap3A = arith.constant 0 : index
    %swap3A_6 = arith.constant 0 : index
    %swap3A_7 = vector.load %arg3[%swap3A, %swap3A_6] : memref<10000x80xf32, #tpu.memory_space<vmem>>, vector<10000x64xf32>
    tpu.vector_store %arg3[%swap3A, %swap3A_6], %dot_general3A_5 {strides = array<i32>} : memref<10000x80xf32, #tpu.memory_space<vmem>>, vector<10000x64xf32>,
    %broadcast_in_dim3A = arith.constant 1.000000e+00 : f32
    %broadcast_in_dim3A_8 = vector.broadcast %broadcast_in_dim3A : f32 to vector<10000x16xf32>
    %swap3A_9 = arith.constant 0 : index
    %swap3A_10 = arith.constant 64 : index
    %swap3A_11 = vector.load %arg3[%swap3A_9, %swap3A_10] : memref<10000x80xf32, #tpu.memory_space<vmem>>, vector<10000x16xf32>
    tpu.vector_store %arg3[%swap3A_9, %swap3A_10], %broadcast_in_dim3A_8 {strides = array<i32>} : memref<10000x80xf32, #tpu.memory_space<vmem>>, vector<10000x16xf32>,
    %get3A_12 = arith.constant 0 : index
    %get3A_13 = arith.constant 0 : index
    %get3A_14 = vector.load %arg2[%get3A_12, %get3A_13] : memref<128x64xf32, #tpu.memory_space<vmem>>, vector<128x64xf32>
    %dot_general3A_15 = arith.constant dense<0.000000e+00> : vector<10000x64xf32>
    %dot_general3A_16 = tpu.matmul %get3A_1, %get3A_14, %dot_general3A_15 {dimension_numbers = #tpu.dot_dimension_numbers<[1], [0], [0], [1], [0, 0, 1, 1], [], []>, transpose_lhs_hint = false} : vector<10000x128xf32>, vector<128x64xf32>, vector<10000x64xf32> -> vector<10000x64xf32>
    %swap3A_17 = arith.constant 0 : index
    %swap3A_18 = arith.constant 0 : index
    %swap3A_19 = vector.load %arg4[%swap3A_17, %swap3A_18] : memref<10000x64xf32, #tpu.memory_space<vmem>>, vector<10000x64xf32>
    tpu.vector_store %arg4[%swap3A_17, %swap3A_18], %dot_general3A_16 {strides = array<i32>} : memref<10000x64xf32, #tpu.memory_space<vmem>>, vector<10000x64xf32>,
    return
  }
}

module attributes {stable_mosaic.version = 14 : i64} {
  func.func @_tc2_body(%arg0: memref<2x10016x80xf32, #tpu.memory_space<vmem>>, %arg1: memref<10000x64xf32, #tpu.memory_space<vmem>>, %arg2: memref<64xf32, #tpu.memory_space<vmem>>, %arg3: memref<64xf32, #tpu.memory_space<vmem>>, %arg4: memref<64xf32, #tpu.memory_space<vmem>>, %arg5: memref<64x16xf32, #tpu.memory_space<vmem>>, %arg6: memref<64x16xf32, #tpu.memory_space<vmem>>, %arg7: memref<10000x16xf32, #tpu.memory_space<vmem>>, %arg8: memref<10000x16xf32, #tpu.memory_space<vmem>>, %arg9: memref<10000x1xf32, #tpu.memory_space<vmem>>) attributes {dimension_semantics = [], scalar_prefetch = 0 : i64, scratch_operands = 0 : i64, tpu.core_type = #tpu.core_type<tc>} {
    %get3A = arith.constant 0 : index
    %get3A_0 = arith.constant 0 : index
    %get3A_1 = arith.constant 0 : index
    %get3A_2 = vector.load %arg0[%get3A, %get3A_0, %get3A_1] : memref<2x10016x80xf32, #tpu.memory_space<vmem>>, vector<1x10000x64xf32>
    %get3A_3 = vector.shape_cast %get3A_2 : vector<1x10000x64xf32> to vector<10000x64xf32>
    %get3A_4 = arith.constant 1 : index
    %get3A_5 = arith.constant 0 : index
    %get3A_6 = arith.constant 0 : index
    %get3A_7 = vector.load %arg0[%get3A_4, %get3A_5, %get3A_6] : memref<2x10016x80xf32, #tpu.memory_space<vmem>>, vector<1x10000x64xf32>
    %get3A_8 = vector.shape_cast %get3A_7 : vector<1x10000x64xf32> to vector<10000x64xf32>
    %add3A = arith.addf %get3A_3, %get3A_8 : vector<10000x64xf32>
    %get3A_9 = arith.constant 0 : index
    %get3A_10 = arith.constant 0 : index
    %get3A_11 = arith.constant 64 : index
    %get3A_12 = vector.load %arg0[%get3A_9, %get3A_10, %get3A_11] : memref<2x10016x80xf32, #tpu.memory_space<vmem>>, vector<1x10000x1xf32>
    %get3A_13 = vector.shape_cast %get3A_12 : vector<1x10000x1xf32> to vector<10000xf32>
    %get3A_14 = arith.constant 1 : index
    %get3A_15 = arith.constant 0 : index
    %get3A_16 = arith.constant 64 : index
    %get3A_17 = vector.load %arg0[%get3A_14, %get3A_15, %get3A_16] : memref<2x10016x80xf32, #tpu.memory_space<vmem>>, vector<1x10000x1xf32>
    %get3A_18 = vector.shape_cast %get3A_17 : vector<1x10000x1xf32> to vector<10000xf32>
    %add3A_19 = arith.addf %get3A_13, %get3A_18 : vector<10000xf32>
    %max3A = arith.constant 1.000000e+00 : f32
    %max3A_20 = vector.broadcast %max3A : f32 to vector<10000xf32>
    %max3A_21 = arith.maximumf %add3A_19, %max3A_20 : vector<10000xf32>
    %div3A = arith.constant 1.000000e+00 : f32
    %div3A_22 = vector.broadcast %div3A : f32 to vector<10000xf32>
    %div3A_23 = arith.divf %div3A_22, %max3A_21 : vector<10000xf32>
    %broadcast_in_dim3A = vector.shape_cast %div3A_23 : vector<10000xf32> to vector<10000x1xf32>
    %mul3A = vector.broadcast %broadcast_in_dim3A : vector<10000x1xf32> to vector<10000x64xf32>
    %mul3A_24 = arith.mulf %add3A, %mul3A : vector<10000x64xf32>
    %get3A_25 = arith.constant 0 : index
    %get3A_26 = vector.load %arg2[%get3A_25] : memref<64xf32, #tpu.memory_space<vmem>>, vector<64xf32>
    %broadcast_in_dim3A_27 = vector.shape_cast %get3A_26 : vector<64xf32> to vector<1x64xf32>
    %add3A_28 = vector.broadcast %broadcast_in_dim3A_27 : vector<1x64xf32> to vector<10000x64xf32>
    %add3A_29 = arith.addf %mul3A_24, %add3A_28 : vector<10000x64xf32>
    %get3A_30 = arith.constant 0 : index
    %get3A_31 = arith.constant 0 : index
    %get3A_32 = vector.load %arg1[%get3A_30, %get3A_31] : memref<10000x64xf32, #tpu.memory_space<vmem>>, vector<10000x64xf32>
    %add3A_33 = arith.addf %add3A_29, %get3A_32 : vector<10000x64xf32>
    %reduce_sum3A = arith.constant dense<0.000000e+00> : vector<64xf32>
    %reduce_sum3A_34 = vector.multi_reduction <add>, %add3A_33, %reduce_sum3A [0] : vector<10000x64xf32> to vector<64xf32>
    %div3A_35 = arith.constant 1.000000e+04 : f32
    %div3A_36 = vector.broadcast %div3A_35 : f32 to vector<64xf32>
    %div3A_37 = arith.divf %reduce_sum3A_34, %div3A_36 : vector<64xf32>
    %broadcast_in_dim3A_38 = vector.shape_cast %div3A_37 : vector<64xf32> to vector<1x64xf32>
    %sub3A = vector.broadcast %broadcast_in_dim3A_38 : vector<1x64xf32> to vector<10000x64xf32>
    %sub3A_39 = arith.subf %add3A_33, %sub3A : vector<10000x64xf32>
    %mul3A_40 = arith.mulf %sub3A_39, %sub3A_39 : vector<10000x64xf32>
    %reduce_sum3A_41 = arith.constant dense<0.000000e+00> : vector<64xf32>
    %reduce_sum3A_42 = vector.multi_reduction <add>, %mul3A_40, %reduce_sum3A_41 [0] : vector<10000x64xf32> to vector<64xf32>
    %div3A_43 = arith.constant 1.000000e+04 : f32
    %div3A_44 = vector.broadcast %div3A_43 : f32 to vector<64xf32>
    %div3A_45 = arith.divf %reduce_sum3A_42, %div3A_44 : vector<64xf32>
    %get3A_46 = arith.constant 0 : index
    %get3A_47 = vector.load %arg3[%get3A_46] : memref<64xf32, #tpu.memory_space<vmem>>, vector<64xf32>
    %add3A_48 = arith.constant 9.99999974E-6 : f32
    %add3A_49 = vector.broadcast %add3A_48 : f32 to vector<64xf32>
    %add3A_50 = arith.addf %div3A_45, %add3A_49 : vector<64xf32>
    %sqrt3A = math.sqrt %add3A_50 : vector<64xf32>
    %div3A_51 = arith.divf %get3A_47, %sqrt3A : vector<64xf32>
    %broadcast_in_dim3A_52 = vector.shape_cast %div3A_51 : vector<64xf32> to vector<1x64xf32>
    %mul3A_53 = vector.broadcast %broadcast_in_dim3A_52 : vector<1x64xf32> to vector<10000x64xf32>
    %mul3A_54 = arith.mulf %sub3A_39, %mul3A_53 : vector<10000x64xf32>
    %get3A_55 = arith.constant 0 : index
    %get3A_56 = vector.load %arg4[%get3A_55] : memref<64xf32, #tpu.memory_space<vmem>>, vector<64xf32>
    %broadcast_in_dim3A_57 = vector.shape_cast %get3A_56 : vector<64xf32> to vector<1x64xf32>
    %add3A_58 = vector.broadcast %broadcast_in_dim3A_57 : vector<1x64xf32> to vector<10000x64xf32>
    %add3A_59 = arith.addf %mul3A_54, %add3A_58 : vector<10000x64xf32>
    %max3A_60 = arith.constant 0.000000e+00 : f32
    %max3A_61 = vector.broadcast %max3A_60 : f32 to vector<10000x64xf32>
    %max3A_62 = arith.maximumf %add3A_59, %max3A_61 : vector<10000x64xf32>
    %get3A_63 = arith.constant 0 : index
    %get3A_64 = arith.constant 0 : index
    %get3A_65 = vector.load %arg5[%get3A_63, %get3A_64] : memref<64x16xf32, #tpu.memory_space<vmem>>, vector<64x16xf32>
    %dot_general3A = arith.constant dense<0.000000e+00> : vector<10000x16xf32>
    %dot_general3A_66 = tpu.matmul %max3A_62, %get3A_65, %dot_general3A {dimension_numbers = #tpu.dot_dimension_numbers<[1], [0], [0], [1], [0, 0, 1, 1], [], []>, transpose_lhs_hint = false} : vector<10000x64xf32>, vector<64x16xf32>, vector<10000x16xf32> -> vector<10000x16xf32>
    %swap3A = arith.constant 0 : index
    %swap3A_67 = arith.constant 0 : index
    %swap3A_68 = vector.load %arg7[%swap3A, %swap3A_67] : memref<10000x16xf32, #tpu.memory_space<vmem>>, vector<10000x16xf32>
    tpu.vector_store %arg7[%swap3A, %swap3A_67], %dot_general3A_66 {strides = array<i32>} : memref<10000x16xf32, #tpu.memory_space<vmem>>, vector<10000x16xf32>,
    %get3A_69 = arith.constant 0 : index
    %get3A_70 = arith.constant 0 : index
    %get3A_71 = vector.load %arg6[%get3A_69, %get3A_70] : memref<64x16xf32, #tpu.memory_space<vmem>>, vector<64x16xf32>
    %dot_general3A_72 = arith.constant dense<0.000000e+00> : vector<10000x16xf32>
    %dot_general3A_73 = tpu.matmul %max3A_62, %get3A_71, %dot_general3A_72 {dimension_numbers = #tpu.dot_dimension_numbers<[1], [0], [0], [1], [0, 0, 1, 1], [], []>, transpose_lhs_hint = false} : vector<10000x64xf32>, vector<64x16xf32>, vector<10000x16xf32> -> vector<10000x16xf32>
    %swap3A_74 = arith.constant 0 : index
    %swap3A_75 = arith.constant 0 : index
    %swap3A_76 = vector.load %arg8[%swap3A_74, %swap3A_75] : memref<10000x16xf32, #tpu.memory_space<vmem>>, vector<10000x16xf32>
    tpu.vector_store %arg8[%swap3A_74, %swap3A_75], %dot_general3A_73 {strides = array<i32>} : memref<10000x16xf32, #tpu.memory_space<vmem>>, vector<10000x16xf32>,
    %swap3A_77 = arith.constant 0 : index
    %swap3A_78 = arith.constant 0 : index
    %swap3A_79 = vector.load %arg9[%swap3A_77, %swap3A_78] : memref<10000x1xf32, #tpu.memory_space<vmem>>, vector<10000x1xf32>
    tpu.vector_store %arg9[%swap3A_77, %swap3A_78], %broadcast_in_dim3A {strides = array<i32>} : memref<10000x1xf32, #tpu.memory_space<vmem>>, vector<10000x1xf32>,
    return
  }
}

module attributes {stable_mosaic.version = 14 : i64} {
  func.func @_tc3_body(%arg0: memref<2x10016x16xf32, #tpu.memory_space<vmem>>, %arg1: memref<10000x1xf32, #tpu.memory_space<vmem>>, %arg2: memref<10000x16xf32, #tpu.memory_space<vmem>>, %arg3: memref<16xf32, #tpu.memory_space<vmem>>, %arg4: memref<16x2xf32, #tpu.memory_space<vmem>>, %arg5: memref<2xf32, #tpu.memory_space<vmem>>, %arg6: memref<10000x2xf32, #tpu.memory_space<vmem>>, %arg7: memref<10000x16xf32, #tpu.memory_space<vmem>>) attributes {dimension_semantics = [], scalar_prefetch = 0 : i64, scratch_operands = 0 : i64, tpu.core_type = #tpu.core_type<tc>} {
    %get3A = arith.constant 0 : index
    %get3A_0 = arith.constant 0 : index
    %get3A_1 = arith.constant 0 : index
    %get3A_2 = vector.load %arg0[%get3A, %get3A_0, %get3A_1] : memref<2x10016x16xf32, #tpu.memory_space<vmem>>, vector<1x10000x16xf32>
    %get3A_3 = vector.shape_cast %get3A_2 : vector<1x10000x16xf32> to vector<10000x16xf32>
    %get3A_4 = arith.constant 1 : index
    %get3A_5 = arith.constant 0 : index
    %get3A_6 = arith.constant 0 : index
    %get3A_7 = vector.load %arg0[%get3A_4, %get3A_5, %get3A_6] : memref<2x10016x16xf32, #tpu.memory_space<vmem>>, vector<1x10000x16xf32>
    %get3A_8 = vector.shape_cast %get3A_7 : vector<1x10000x16xf32> to vector<10000x16xf32>
    %add3A = arith.addf %get3A_3, %get3A_8 : vector<10000x16xf32>
    %get3A_9 = arith.constant 0 : index
    %get3A_10 = arith.constant 0 : index
    %get3A_11 = vector.load %arg1[%get3A_9, %get3A_10] : memref<10000x1xf32, #tpu.memory_space<vmem>>, vector<10000x1xf32>
    %mul3A = vector.broadcast %get3A_11 : vector<10000x1xf32> to vector<10000x16xf32>
    %mul3A_12 = arith.mulf %add3A, %mul3A : vector<10000x16xf32>
    %get3A_13 = arith.constant 0 : index
    %get3A_14 = vector.load %arg3[%get3A_13] : memref<16xf32, #tpu.memory_space<vmem>>, vector<16xf32>
    %broadcast_in_dim3A = vector.shape_cast %get3A_14 : vector<16xf32> to vector<1x16xf32>
    %add3A_15 = vector.broadcast %broadcast_in_dim3A : vector<1x16xf32> to vector<10000x16xf32>
    %add3A_16 = arith.addf %mul3A_12, %add3A_15 : vector<10000x16xf32>
    %get3A_17 = arith.constant 0 : index
    %get3A_18 = arith.constant 0 : index
    %get3A_19 = vector.load %arg2[%get3A_17, %get3A_18] : memref<10000x16xf32, #tpu.memory_space<vmem>>, vector<10000x16xf32>
    %add3A_20 = arith.addf %add3A_16, %get3A_19 : vector<10000x16xf32>
    %get3A_21 = arith.constant 0 : index
    %get3A_22 = arith.constant 0 : index
    %get3A_23 = vector.load %arg4[%get3A_21, %get3A_22] : memref<16x2xf32, #tpu.memory_space<vmem>>, vector<16x2xf32>
    %dot_general3A = arith.constant dense<0.000000e+00> : vector<10000x2xf32>
    %dot_general3A_24 = tpu.matmul %add3A_20, %get3A_23, %dot_general3A {dimension_numbers = #tpu.dot_dimension_numbers<[1], [0], [0], [1], [0, 0, 1, 1], [], []>, transpose_lhs_hint = false} : vector<10000x16xf32>, vector<16x2xf32>, vector<10000x2xf32> -> vector<10000x2xf32>
    %get3A_25 = arith.constant 0 : index
    %get3A_26 = vector.load %arg5[%get3A_25] : memref<2xf32, #tpu.memory_space<vmem>>, vector<2xf32>
    %broadcast_in_dim3A_27 = vector.shape_cast %get3A_26 : vector<2xf32> to vector<1x2xf32>
    %add3A_28 = vector.broadcast %broadcast_in_dim3A_27 : vector<1x2xf32> to vector<10000x2xf32>
    %add3A_29 = arith.addf %dot_general3A_24, %add3A_28 : vector<10000x2xf32>
    %swap3A = arith.constant 0 : index
    %swap3A_30 = arith.constant 0 : index
    %swap3A_31 = vector.load %arg6[%swap3A, %swap3A_30] : memref<10000x2xf32, #tpu.memory_space<vmem>>, vector<10000x2xf32>
    tpu.vector_store %arg6[%swap3A, %swap3A_30], %add3A_29 {strides = array<i32>} : memref<10000x2xf32, #tpu.memory_space<vmem>>, vector<10000x2xf32>,
    %swap3A_32 = arith.constant 0 : index
    %swap3A_33 = arith.constant 0 : index
    %swap3A_34 = vector.load %arg7[%swap3A_32, %swap3A_33] : memref<10000x16xf32, #tpu.memory_space<vmem>>, vector<10000x16xf32>
    tpu.vector_store %arg7[%swap3A_32, %swap3A_33], %add3A_20 {strides = array<i32>} : memref<10000x16xf32, #tpu.memory_space<vmem>>, vector<10000x16xf32>,
    return
  }
}

</mosaic_0001>

<sc_bundles>
// kernel: kernel.10.cloned.1.call-start
scs
__scs_entry_jumppad:
0x0: {  	(pc) =	sbr.rel $0x88, $3  }
0x1: {  	(tag) =	ssettag $0x0;
	lr =	simm.s32 $0x1  }
0x2: {  	[smem:$0x3F95] =	sst lr;
	_ =	strace $0xD0000000  }
0x3: {  	_ = 	snop  }
0x4: {  	_ = 	snop  }
0x5: {  	_ = 	snop  }
0x6: {  	_ = 	snop  }
0x7: {  	_ = 	snop  }
__scs_overlays_trampoline_lowered:
0x8: {  	[smem:$0x3FA4] =	sst s0  }
0x9: {  	[smem:$0x3FA5] =	sst s1  }
0xa: {  	[smem:$0x3FA6] =	sst s2  }
0xb: {  	[smem:$0x3FA7] =	sst s3  }
0xc: {  	[smem:$0x3FA8] =	sst s4  }
0xd: {  	[smem:$0x3FA9] =	sst s5  }
0xe: {  	[smem:$0x3FAA] =	sst s6  }
0xf: {  	[smem:$0x3FAB] =	sst s7  }
0x10: {  	[smem:$0x3FAC] =	sst s8  }
0x11: {  	[smem:$0x3FAD] =	sst s9;
	s0 =	simm.s32 @!p0 $0x0  }
0x12: {  	s1 =	sld [smem:$0x3F93];
	s0 =	simm.s32 @p0 $0x1  }
0x13: {  	[smem:$0x3FAE] =	sst s0;
	s0 =	simm.s32 @!p1 $0x0  }
0x14: {  	s2 =	sld [smem:$0x3F92];
	s0 =	simm.s32 @p1 $0x1  }
0x15: {  	[smem:$0x3FAF] =	sst s0;
	s0 =	simm.s32 @!p2 $0x0  }
0x16: {  	s3 =	sld [smem:$0x3FDB];
	s0 =	simm.s32 @p2 $0x1  }
0x17: {  	s4 =	simm.s32 $0x1BF5;
	[smem:$0x3FB1] =	sst s0  }
0x18: {  	s0 =	sld [smem:$0x3F94];
	_ =	swait.ge [sflag:s4], $0x0  }
0x19: {  	s7 =	sld [smem:$0x3F95]  }
0x1a: {  	s8 =	sadd.s32 $0xFFFFE003, lr  }
0x1b: {  	s9 =	sadd.s32 $0xFFFFFEF7, lr;
	s5 =	simm.s32 $0xFFFFFFFF;
	p2 =	slt.u32 s8, $0xFFFFF086  }
0x1c: {  	p1 =	slt.u32 s9, $0xF7A;
	s5 =	simm.s32 @!p2 $0x0  }
0x1d: {  	s5 =	simm.s32 @p1 $0x1;
	p0 =	seq.s32 s7, s2  }
0x1e: {  	s7 =	smul.u32 @!p0 $0xF7A, s2;
	p2 =	seq.s32 @!p0 s5, $0x0  }
0x1f: {  	s9 =	smul.u32 $0xF7A, s1;
	s8 =	simm.s32 @!p0 $0x1BF5;
	p2 =	por !p2, p0  }
0x20: {  	[sflag:s8] =	ssyncset.s32 @!p0 $0xFFFFF086;
	s6 =	sadd.s32 @!p0 s3, s7;
	s7 =	simm.s32 @!p0 $0x108  }
0x21: {  	s3 =	sadd.s32 s3, s9;
	s6 =	sadd.s32 @!p0 $0x88, s6;
	s7 =	simm.s32 @p2 $0x1082  }
0x22: {  	[simem:s7], [sflag:s8] =	dma.local @!p0 [hbm:s6], $0xF7A  }
0x23: {  	s9 =	sor.u32 $0xD0000000, s2;
	s6 =	simm.s32 $0x108;
	_ =	swait.ge @!p0 [sflag:s8], $0x0  }
0x24: {  	s3 =	sadd.s32 $0x88, s3;
	s6 =	simm.s32 @!p1 $0x1082;
	[sflag:s4] =	ssyncset.s32 $0xFFFFF086  }
0x25: {  	[simem:s6], [sflag:s4] =	dma.local [hbm:s3], $0xF7A  }
0x26: {  	[smem:$0x3F95] =	sst s1;
	(tag) =	ssettag s2;
	_ =	strace s9  }
0x27: {  	s1 =	sld [smem:$0x3FA5]  }
0x28: {  	s2 =	sld [smem:$0x3FA6]  }
0x29: {  	s4 =	sld [smem:$0x3FA8]  }
0x2a: {  	p0 =	seq.s32 s5, $0x0;
	s5 =	sld [smem:$0x3FA9]  }
0x2b: {  	s6 =	sld [smem:$0x3FAA]  }
0x2c: {  	s7 =	sld [smem:$0x3FAB]  }
0x2d: {  	s3 =	simm.s32 $0x108;
	s8 =	sld [smem:$0x3FAC]  }
0x2e: {  	s3 =	simm.s32 @!p0 $0x1082;
	s9 =	sld [smem:$0x3FAD]  }
0x2f: {  	lr =	sadd.s32 s0, s3;
	s0 =	sld [smem:$0x3FA4]  }
0x30: {  	s3 =	sld [smem:$0x3FA7]  }
0x31: {  	[smem:$0x3FB0] =	sst s10  }
0x32: {  	s10 =	sld [smem:$0x3FAE];
	_ =	sdelay $0x3  }
0x33: {  	p0 =	seq.s32 s10, $0x1;
	s10 =	sld [smem:$0x3FB0];
	_ =	sdelay $0x3  }
0x34: {  	[smem:$0x3FB0] =	sst s10  }
0x35: {  	s10 =	sld [smem:$0x3FAF];
	_ =	sdelay $0x3  }
0x36: {  	p1 =	seq.s32 s10, $0x1;
	s10 =	sld [smem:$0x3FB0];
	_ =	sdelay $0x3  }
0x37: {  	[smem:$0x3FB0] =	sst s10  }
0x38: {  	s10 =	sld [smem:$0x3FB1]  }
0x39: {  	_ = 	snop;
	(pc) =	sbr.ind lr, $3  }
0x3a: {  	_ = 	snop  }
0x3b: {  	_ = 	snop  }
0x3c: {  	p2 =	seq.s32 s10, $0x1;
	s10 =	sld [smem:$0x3FB0]  }
0x3d: {  	_ =	shalt  }
0x3e: {  	_ =	shalt  }
0x3f: {  	_ =	shalt  }
0x40: {  	_ =	shalt  }
0x41: {  	_ =	shalt  }
0x42: {  	_ =	shalt  }
0x43: {  	_ =	shalt  }
0x44: {  	_ =	shalt  }
0x45: {  	_ =	shalt  }
0x46: {  	_ =	shalt  }
0x47: {  	_ =	shalt  }
0x48: {  	_ =	shalt  }
0x49: {  	_ =	shalt  }
0x4a: {  	_ =	shalt  }
0x4b: {  	_ =	shalt  }
0x4c: {  	_ =	shalt  }
0x4d: {  	_ =	shalt  }
0x4e: {  	_ =	shalt  }
0x4f: {  	_ =	shalt  }
0x50: {  	_ =	shalt  }
0x51: {  	_ =	shalt  }
0x52: {  	_ =	shalt  }
0x53: {  	_ =	shalt  }
0x54: {  	_ =	shalt  }
0x55: {  	_ =	shalt  }
0x56: {  	_ =	shalt  }
0x57: {  	_ =	shalt  }
0x58: {  	_ =	shalt  }
0x59: {  	_ =	shalt  }
0x5a: {  	_ =	shalt  }
0x5b: {  	_ =	shalt  }
0x5c: {  	_ =	shalt  }
0x5d: {  	_ =	shalt  }
0x5e: {  	_ =	shalt  }
0x5f: {  	_ =	shalt  }
0x60: {  	_ =	shalt  }
0x61: {  	_ =	shalt  }
0x62: {  	_ =	shalt  }
0x63: {  	_ =	shalt  }
0x64: {  	_ =	shalt  }
0x65: {  	_ =	shalt  }
0x66: {  	_ =	shalt  }
0x67: {  	_ =	shalt  }
0x68: {  	_ =	shalt  }
0x69: {  	_ =	shalt  }
0x6a: {  	_ =	shalt  }
0x6b: {  	_ =	shalt  }
0x6c: {  	_ =	shalt  }
0x6d: {  	_ =	shalt  }
0x6e: {  	_ =	shalt  }
0x6f: {  	_ =	shalt  }
0x70: {  	_ =	shalt  }
0x71: {  	_ =	shalt  }
0x72: {  	_ =	shalt  }
0x73: {  	_ =	shalt  }
0x74: {  	_ =	shalt  }
0x75: {  	_ =	shalt  }
0x76: {  	_ =	shalt  }
0x77: {  	_ =	shalt  }
0x78: {  	_ =	shalt  }
0x79: {  	_ =	shalt  }
0x7a: {  	_ =	shalt  }
0x7b: {  	_ =	shalt  }
0x7c: {  	_ =	shalt  }
0x7d: {  	_ =	shalt  }
0x7e: {  	_ =	shalt  }
0x7f: {  	_ =	shalt  }
0x80: {  	_ =	shalt  }
0x81: {  	_ =	shalt  }
0x82: {  	_ =	shalt  }
0x83: {  	_ =	shalt  }
0x84: {  	_ =	shalt  }
0x85: {  	_ =	shalt  }
0x86: {  	_ =	shalt  }
0x87: {  	_ =	shalt  }
.Lfunc_end0:
.L_simem_size_0:
called_computation.1_lowered:
.L_overlay_start_0:
0x88: {  	s2 =	sld [smem:$0x3FD9]  }
0x89: {  	s3 =	sld [smem:$0x3FFE];
	_ =	sdelay $0x1  }
0x8a: {  	s1 =	srdreg.scid  }
0x8b: {  	s0 =	sand.u32 $0x1, s1  }
0x8c: {  	s14 =	sshll.u32 s0, $0xA;
	s2 =	sadd.s32 s3, s2  }
0x8d: {  	s2 =	sadd.s32 s2, s14  }
0x8e: {  	[smem:$0x3FBC] =	sst s2  }
0x8f: {  	_ = 	snop  }
0x90: {  	s2 =	sld [smem:$0x3FD0];
	_ =	sdelay $0x2  }
0x91: {  	s15 =	simm.s32 $0xA;
	s4 =	simm.s32 $0x10  }
0x92: {  	[smem:s4], [sflag:s15] =	dma.local [hbm:s2], $0x1  }
0x93: {  	_ =	swait.eq [sflag:s15], $0x1  }
0x94: {  	[sflag:s15] =	ssyncset.done $0x0  }
0x95: {  	[sflag:s15] =	ssyncadd.s32 $0xFFFFFFFF  }
0x96: {  	s16 =	sld [smem:$0x11];
	(tm) =	ssettm $0x1  }
0x97: {  	s17 =	sld [smem:$0x3FFB];
	_ =	sdelay $0x3  }
0x98: {  	_ =	strace s17  }
0x99: {  	s3 =	sld [smem:$0x3FFC];
	_ =	sdelay $0x3  }
0x9a: {  	_ =	strace s3  }
0x9b: {  	s3 =	sld [smem:$0x3FFD];
	_ =	sdelay $0x3  }
0x9c: {  	_ =	strace s3  }
0x9d: {  	_ =	strace $0x8FFFFFFF  }
0x9e: {  	s18 =	sld [smem:$0x3FDB];
	_ =	sdelay $0x1  }
0x9f: {  	s19 =	simm.s32 $_scs_section_size  }
0xa0: {  	s5 =	simm.s32 $_size__tile_overlayer_lowered;
	s6 =	simm.s32 $_tile_overlayer_lowered  }
0xa1: {  	s22 =	simm.s32 $0x1BFF;
	s21 =	sshll.u32 s6, $0x1;
	s3 =	sadd.s32 s19, s18  }
0xa2: {  	s7 =	simm.s32 $0x0;
	s20 =	sshll.u32 s5, $0x1;
	s5 =	sadd.s32 s21, s3  }
0xa3: {  	[timem:s7], [sflag:s22] =	dma.local [hbm:s5], s20  }
0xa4: {  	_ =	swait.ge [sflag:s22], s20  }
0xa5: {  	s4 =	ssub.s32 $0x0, s20;
	[sflag:s22] =	ssyncset.done $0x0  }
0xa6: {  	[sflag:s22] =	ssyncadd.s32 s4;
	_ =	sdelay $0x1  }
0xa7: {  	s23 =	simm.s32 $0x1B8B  }
0xa8: {  	_ =	swait.ge [sflag:s23], $0x1  }
0xa9: {  	[sflag:s23] =	ssyncset.done $0x0  }
0xaa: {  	s25 =	simm.s32 $0x1B8E;
	s24 =	sld [smem:$0x3FFE];
	[sflag:s23] =	ssyncadd.s32 $0xFFFFFFFF  }
0xab: {  	s26 =	simm.s32 $execute0_lowered;
	[smem:$0x3FD2] =	sst s25  }
0xac: {  	s5 =	sshll.u32 s26, $0x1;
	_ =	strace $0x80000049;
	[dreg:$0x1] =	wrdreg $0xFFFFFFFF  }
0xad: {  	s28 =	simm.s32 $_size_execute0_lowered;
	s3 =	sadd.s32 s3, s5;
	[dreg:$0x0] =	wrdreg $0x0  }
0xae: {  	s5 =	sshll.u32 s28, $0x1;
	[dreg:$0x2] =	wrdreg s3  }
0xaf: {  	[dreg:$0x3] =	wrdreg s5  }
0xb0: {  	[dreg:$0x4] =	wrdreg $0xC0  }
0xb1: {  	_ =	task [dreg:s7], $0x5FFFF  }
0xb2: {  	[dreg:$0x1] =	wrdreg $0xFFFFFFFF  }
0xb3: {  	[dreg:$0x0] =	wrdreg $0x60  }
0xb4: {  	[dreg:$0x2] =	wrdreg s16  }
0xb5: {  	[dreg:$0x3] =	wrdreg s24  }
0xb6: {  	[dreg:$0x4] =	wrdreg $0x7F200  }
0xb7: {  	[dreg:$0x5] =	wrdreg $0x9  }
0xb8: {  	_ =	task.clear_ibuf [dreg:s7], $0x6FFFF;
	_ =	strace $0x90000049  }
0xb9: {  	s29 =	simm.s32 $0x9;
	_ =	strace $0x8000004B  }
0xba: {  	_ =	swait.ge [sflag:s29], $0x1  }
0xbb: {  	[sflag:s29] =	ssyncadd.s32 $0xFFFFFFFF  }
0xbc: {  	_ =	strace $0x9000004B  }
0xbd: {  	_ =	sfence  }
0xbe: {  	s30 =	sld [smem:$0x0];
	_ =	sdelay $0x2  }
0xbf: {  	s31 =	sshll.u32 s1, $0xD;
	s1 =	sshrl.u32 s1, $0x2  }
0xc0: {  	s3 =	sand.u32 $0x4000, s31;
	s1 =	sadd.s32 s1, s30  }
0xc1: {  	s0 =	sor.u32 s3, s0;
	s1 =	sshll.u32 s1, $0x11  }
0xc2: {  	s0 =	sor.u32 s1, s0  }
0xc3: {  	s0 =	sadd.s32 $0x8F2B, s0  }
0xc4: {  	[sflag:s0] =	ssyncadd.remote.s32 $0x1  }
0xc5: {  	_ =	sfence.sel $0xFFFF  }
0xc6: {  	[dreg:$0x0] =	wrdreg $0xFFFFFFFF;
	(pc) =	sbr.abs _section_cstart, $3  }
0xc7: {  	[dreg:$0x1] =	wrdreg $0xFFFFFFFF  }
0xc8: {  	_ =	task.clear_ibuf [dreg:s7], $0x2FFFF;
	_ =	strace $0x9FFFFFFF  }
0xc9: {  	(tm) =	ssettm $0x7FFFFFFF  }
tec
execute0_lowered:
.L_overlay_start_1:
0x0: {  	(tag) =	ssettag $0x1  }
0x1: {  	s1 =	rddreg [dreg:$0x0]  }
0x2: {  	s5 =	rddreg [dreg:$0x1]  }
0x3: {  	s0 =	srdreg.scid;
	s3 =	rddreg [dreg:$0x2]  }
0x4: {  	s2 =	rddreg [dreg:$0x3];
	s6 =	sand.u32 $0x1, s0  }
0x5: {  	s0 =	stileid.u32;
	s7 =	smul.u32 $0x28000, s6  }
0x6: {  	s4 =	simm.s32 $0x0;
	s11 =	simm.s32 $0x2800;
	s8 =	smul.u32 $0x2800, s0  }
0x7: {  	s12 =	simm.s32 $0x5800;
	s13 =	simm.s32 $0x80;
	s9 =	smul.u32 $0x2720, s0  }
0x8: {  	s14 =	simm.s32 $0x5000;
	[smem:$0x7FF] =	sst s4;
	s10 =	smul.u32 $0x27200, s6  }
0x9: {  	s15 =	simm.s32 $0x1;
	s16 =	simm.s32 $0x0;
	_ =	strace $0x8000004A  }
0xa: {  	s6 =	ssub.s32 $0x2, s6;
	s7 =	sadd.s32 s8, s7;
	s30 =	sadd.s32 s9, s10  }
0xb: {  	s31 =	sshrl.u32 s6, $0x1;
	s7 =	sshrl.u32 s7, $0x3;
	s8 =	sshrl.u32 s30, $0x3  }
0xc: {  	s10 =	ssub.s32 s6, s31;
	s7 =	sadd.s32 s7, s5;
	s8 =	sadd.s32 s8, s5  }
0xd: {  	s5 =	sadd.s32 $0x24E00, s7;
	s6 =	sadd.s32 $0x1AE00, s7;
	s7 =	sadd.s32 s9, s3  }
0xe: {  	v0 =	vimm.f32 $0.0e+00;
	s8 =	sadd.s32 $0x2600, s8;
	s9 =	smax.u32 s10, $0x1;
	s10 =	simm.s32 $0x2  }
.LBB2_1:
0xf: {  	[tilespmem:s4], [sflag:$0x2] =	stream.linear.gather [hbm4b:s5+s4], $0x2800, $0x38;
	[tilespmem:$0xA640] =	vst v63  }
0x10: {  	_ =	swait.ge [sflag:s10], $0x2800  }
0x11: {  	[sflag:s10] =	ssyncset.done $0x0  }
0x12: {  	[sflag:s10] =	ssyncadd.s32 $0xFFFFD800  }
0x13: {  	[tilespmem:s11], [sflag:$0x2] =	stream.linear.gather [hbm4b:s6+s4], $0x2800, $0x38;
	[tilespmem:$0xA640] =	vst v63  }
0x14: {  	_ =	swait.ge [sflag:s10], $0x2800  }
0x15: {  	[sflag:s10] =	ssyncset.done $0x0  }
0x16: {  	s17 =	simm.s32 $0x40;
	s18 =	simm.s32 $0x0;
	[sflag:s10] =	ssyncadd.s32 $0xFFFFD800  }
.LBB2_2:
0x17: {  	p0 =	sne.s32 s17, $0x9C40;
	[tilespmem:s18+$0x5800] =	vst v0;
	s18 =	smov.u32 s17;
	s17 =	sadd.s32 $0x40, s17  }
.Ltmp0:
0x18: {  	(pc) =	sbr.rel @p0 .LBB2_2-.Ltmp0, $2  }
0x19: {  	_ =	sdelay $0x2  }
0x1a: {  	s18 =	sshra.s32 s18, $0x2  }
0x1b: {  	[tilespmem:s18+$0x5800] =	vst v0  }
0x1c: {  	[spmem:s7] =	stream.linear.scatter [tilespmem:s12], [sflag:$0x2], $0x2720, $0x38;
	[tilespmem:$0xA640] =	vst v63  }
0x1d: {  	_ =	swait.ge [sflag:s10], $0x2720  }
0x1e: {  	[sflag:s10] =	ssyncset.done $0x0  }
0x1f: {  	[sflag:s10] =	ssyncadd.s32 $0xFFFFD8E0  }
0x20: {  	s17 =	simm.s32 $0x0;
	[bflag:$0x0] =	sbarrier.arrive $0xFFFF  }
0x21: {  	[tilespmem:s14], [sflag:$0x1] =	stream.indirect.gather [hbm4b:s1+s13], $0x10, s17, s13, $0xb8;
	[tilespmem:$0xA640] =	vst v63  }
0x22: {  	_ =	swait.ge [sflag:s15], $0x800  }
0x23: {  	[sflag:s15] =	ssyncset.done $0x0  }
0x24: {  	s31 =	simm.s32 $0x2800;
	[sflag:s15] =	ssyncadd.s32 $0xFFFFF800  }
0x25: {  	[spmem:s3] =	stream.indirect.scatter.add.f32 [tilespmem:s14], [sflag:$0x2], $0x10, s31, s13, $0xb8;
	[tilespmem:$0xA640] =	vst v63  }
0x26: {  	_ =	swait.ge [sflag:s10], $0x800  }
0x27: {  	s18 =	simm.s32 $0x400;
	s17 =	simm.s32 $0x200;
	[sflag:s10] =	ssyncset.done $0x0  }
.LBB2_4:
0x28: {  	s19 =	sshra.s32 s17, $0x2  }
0x29: {  	[sflag:s10] =	ssyncadd.s32 $0xFFFFF800;
	s17 =	smov.u32 s18;
	s20 =	sadd.s32 $0x200, s18  }
0x2a: {  	[tilespmem:s14], [sflag:$0x1] =	stream.indirect.gather [hbm4b:s1+s13], $0x10, s19, s13, $0xb8;
	[tilespmem:$0xA640] =	vst v63  }
0x2b: {  	p0 =	sne.s32 s18, $0x9E00;
	_ =	swait.ge [sflag:s15], $0x800  }
.Ltmp1:
0x2c: {  	[sflag:s15] =	ssyncset.done $0x0;
	(pc) =	sbr.rel @p0 .LBB2_4-.Ltmp1, $4  }
0x2d: {  	s18 =	sadd.s32 $0x2800, s19;
	[sflag:s15] =	ssyncadd.s32 $0xFFFFF800  }
0x2e: {  	[spmem:s3] =	stream.indirect.scatter.add.f32 [tilespmem:s14], [sflag:$0x2], $0x10, s18, s13, $0xb8;
	[tilespmem:$0xA640] =	vst v63  }
0x2f: {  	_ =	swait.ge [sflag:s10], $0x800  }
0x30: {  	s18 =	smov.u32 s20;
	[sflag:s10] =	ssyncset.done $0x0  }
0x31: {  	s17 =	sshra.s32 s17, $0x2;
	[sflag:s10] =	ssyncadd.s32 $0xFFFFF800  }
0x32: {  	[tilespmem:s14], [sflag:$0x1] =	stream.indirect.gather [hbm4b:s1+s13], $0x10, s17, s13, $0xb8;
	[tilespmem:$0xA640] =	vst v63  }
0x33: {  	_ =	swait.ge [sflag:s15], $0x800  }
0x34: {  	[sflag:s15] =	ssyncset.done $0x0  }
0x35: {  	s17 =	sadd.s32 $0x2800, s17;
	[sflag:s15] =	ssyncadd.s32 $0xFFFFF800  }
0x36: {  	[spmem:s3] =	stream.indirect.scatter.add.f32 [tilespmem:s14], [sflag:$0x2], $0x10, s17, s13, $0xb8;
	[tilespmem:$0xA640] =	vst v63  }
0x37: {  	_ =	swait.ge [sflag:s10], $0x800  }
0x38: {  	[sflag:s10] =	ssyncset.done $0x0  }
0x39: {  	[sflag:s10] =	ssyncadd.s32 $0xFFFFF800  }
0x3a: {  	[bflag:$0x0] =	sbarrier.arrive $0xFFFF  }
0x3b: {  	[tilespmem:s12], [sflag:$0x2] =	stream.linear.gather [spmem:s7], $0x2720, $0x38;
	[tilespmem:$0xA640] =	vst v63  }
0x3c: {  	s16 =	sadd.s32 $0x1, s16;
	_ =	swait.ge [sflag:s10], $0x2720  }
0x3d: {  	p0 =	sne.s32 s16, s9;
	[sflag:s10] =	ssyncset.done $0x0  }
.Ltmp2:
0x3e: {  	[sflag:s10] =	ssyncadd.s32 $0xFFFFD8E0;
	(pc) =	sbr.rel @p0 .LBB2_1-.Ltmp2, $4  }
0x3f: {  	[hbm4b:s8+s4] =	stream.linear.scatter [tilespmem:s12], [sflag:$0x2], $0x2720, $0x38;
	[tilespmem:$0xA640] =	vst v63  }
0x40: {  	_ =	swait.ge [sflag:s10], $0x2720  }
0x41: {  	[sflag:s10] =	ssyncset.done $0x0  }
0x42: {  	[sflag:s10] =	ssyncadd.s32 $0xFFFFD8E0  }
0x43: {  	_ =	sfence.sel $0x180000  }
0x44: {  	[bflag:$0x0] =	sbarrier.arrive $0xFFFF  }
0x45: {  	p0 =	sne.s32 s0, $0x0;
	_ =	strace $0x9000004A  }
0x46: {  	s0 =	sadd.s32 @!p0 $0x100000, s2;
	[bflag:$0x2] =	sbarrier.arrive $0xFFFF  }
0x47: {  	[sflag:s0] =	ssyncadd.tile.s32 @!p0 $0x1;
	_ =	shalt  }
.Lfunc_end2:
_tile_overlayer_lowered:
.L_overlay_start_2:
0x48: {  	(tag) =	ssettag $0x2  }
0x49: {  	s0 =	rddreg [dreg:$0x0];
	s2 =	stileid.u32  }
0x4a: {  	s1 =	rddreg [dreg:$0x1];
	p0 =	sne.s32 s2, $0x0  }
0x4b: {  	s3 =	rddreg [dreg:$0x2];
	[bflag:$0x3] =	sbarrier.arrive $0xFFFF;
	s2 =	simm.s32 @!p0 $0x1C02  }
0x4c: {  	[timem:s3], [sflag:s2] =	dma.local @!p0 [hbm:s0], s1  }
0x4d: {  	s0 =	simm.s32 @!p0 $0x2  }
0x4e: {  	_ =	swait.ge @!p0 [sflag:s0], s1  }
0x4f: {  	s1 =	ssub.s32 @!p0 $0x0, s1;
	[sflag:s0] =	ssyncset.done @!p0 $0x0  }
0x50: {  	[sflag:s0] =	ssyncadd.s32 @!p0 s1  }
0x51: {  	[bflag:$0x3] =	sbarrier.arrive $0xFFFF  }
0x52: {  	_ =	shalt  }

// kernel: kernel.7.cloned.1.call-start
scs
__scs_entry_jumppad:
0x0: {  	(pc) =	sbr.rel $0x88, $3  }
0x1: {  	(tag) =	ssettag $0x0;
	lr =	simm.s32 $0x1  }
0x2: {  	[smem:$0x3F95] =	sst lr;
	_ =	strace $0xD0000000  }
0x3: {  	_ = 	snop  }
0x4: {  	_ = 	snop  }
0x5: {  	_ = 	snop  }
0x6: {  	_ = 	snop  }
0x7: {  	_ = 	snop  }
__scs_overlays_trampoline_lowered:
0x8: {  	[smem:$0x3FA4] =	sst s0  }
0x9: {  	[smem:$0x3FA5] =	sst s1  }
0xa: {  	[smem:$0x3FA6] =	sst s2  }
0xb: {  	[smem:$0x3FA7] =	sst s3  }
0xc: {  	[smem:$0x3FA8] =	sst s4  }
0xd: {  	[smem:$0x3FA9] =	sst s5  }
0xe: {  	[smem:$0x3FAA] =	sst s6  }
0xf: {  	[smem:$0x3FAB] =	sst s7  }
0x10: {  	[smem:$0x3FAC] =	sst s8  }
0x11: {  	[smem:$0x3FAD] =	sst s9;
	s0 =	simm.s32 @!p0 $0x0  }
0x12: {  	s1 =	sld [smem:$0x3F93];
	s0 =	simm.s32 @p0 $0x1  }
0x13: {  	[smem:$0x3FAE] =	sst s0;
	s0 =	simm.s32 @!p1 $0x0  }
0x14: {  	s2 =	sld [smem:$0x3F92];
	s0 =	simm.s32 @p1 $0x1  }
0x15: {  	[smem:$0x3FAF] =	sst s0;
	s0 =	simm.s32 @!p2 $0x0  }
0x16: {  	s3 =	sld [smem:$0x3FDB];
	s0 =	simm.s32 @p2 $0x1  }
0x17: {  	s4 =	simm.s32 $0x1BF5;
	[smem:$0x3FB1] =	sst s0  }
0x18: {  	s0 =	sld [smem:$0x3F94];
	_ =	swait.ge [sflag:s4], $0x0  }
0x19: {  	s7 =	sld [smem:$0x3F95]  }
0x1a: {  	s8 =	sadd.s32 $0xFFFFE003, lr  }
0x1b: {  	s9 =	sadd.s32 $0xFFFFFEF7, lr;
	s5 =	simm.s32 $0xFFFFFFFF;
	p2 =	slt.u32 s8, $0xFFFFF086  }
0x1c: {  	p1 =	slt.u32 s9, $0xF7A;
	s5 =	simm.s32 @!p2 $0x0  }
0x1d: {  	s5 =	simm.s32 @p1 $0x1;
	p0 =	seq.s32 s7, s2  }
0x1e: {  	s7 =	smul.u32 @!p0 $0xF7A, s2;
	p2 =	seq.s32 @!p0 s5, $0x0  }
0x1f: {  	s9 =	smul.u32 $0xF7A, s1;
	s8 =	simm.s32 @!p0 $0x1BF5;
	p2 =	por !p2, p0  }
0x20: {  	[sflag:s8] =	ssyncset.s32 @!p0 $0xFFFFF086;
	s6 =	sadd.s32 @!p0 s3, s7;
	s7 =	simm.s32 @!p0 $0x108  }
0x21: {  	s3 =	sadd.s32 s3, s9;
	s6 =	sadd.s32 @!p0 $0x88, s6;
	s7 =	simm.s32 @p2 $0x1082  }
0x22: {  	[simem:s7], [sflag:s8] =	dma.local @!p0 [hbm:s6], $0xF7A  }
0x23: {  	s9 =	sor.u32 $0xD0000000, s2;
	s6 =	simm.s32 $0x108;
	_ =	swait.ge @!p0 [sflag:s8], $0x0  }
0x24: {  	s3 =	sadd.s32 $0x88, s3;
	s6 =	simm.s32 @!p1 $0x1082;
	[sflag:s4] =	ssyncset.s32 $0xFFFFF086  }
0x25: {  	[simem:s6], [sflag:s4] =	dma.local [hbm:s3], $0xF7A  }
0x26: {  	[smem:$0x3F95] =	sst s1;
	(tag) =	ssettag s2;
	_ =	strace s9  }
0x27: {  	s1 =	sld [smem:$0x3FA5]  }
0x28: {  	s2 =	sld [smem:$0x3FA6]  }
0x29: {  	s4 =	sld [smem:$0x3FA8]  }
0x2a: {  	p0 =	seq.s32 s5, $0x0;
	s5 =	sld [smem:$0x3FA9]  }
0x2b: {  	s6 =	sld [smem:$0x3FAA]  }
0x2c: {  	s7 =	sld [smem:$0x3FAB]  }
0x2d: {  	s3 =	simm.s32 $0x108;
	s8 =	sld [smem:$0x3FAC]  }
0x2e: {  	s3 =	simm.s32 @!p0 $0x1082;
	s9 =	sld [smem:$0x3FAD]  }
0x2f: {  	lr =	sadd.s32 s0, s3;
	s0 =	sld [smem:$0x3FA4]  }
0x30: {  	s3 =	sld [smem:$0x3FA7]  }
0x31: {  	[smem:$0x3FB0] =	sst s10  }
0x32: {  	s10 =	sld [smem:$0x3FAE];
	_ =	sdelay $0x3  }
0x33: {  	p0 =	seq.s32 s10, $0x1;
	s10 =	sld [smem:$0x3FB0];
	_ =	sdelay $0x3  }
0x34: {  	[smem:$0x3FB0] =	sst s10  }
0x35: {  	s10 =	sld [smem:$0x3FAF];
	_ =	sdelay $0x3  }
0x36: {  	p1 =	seq.s32 s10, $0x1;
	s10 =	sld [smem:$0x3FB0];
	_ =	sdelay $0x3  }
0x37: {  	[smem:$0x3FB0] =	sst s10  }
0x38: {  	s10 =	sld [smem:$0x3FB1]  }
0x39: {  	_ = 	snop;
	(pc) =	sbr.ind lr, $3  }
0x3a: {  	_ = 	snop  }
0x3b: {  	_ = 	snop  }
0x3c: {  	p2 =	seq.s32 s10, $0x1;
	s10 =	sld [smem:$0x3FB0]  }
0x3d: {  	_ =	shalt  }
0x3e: {  	_ =	shalt  }
0x3f: {  	_ =	shalt  }
0x40: {  	_ =	shalt  }
0x41: {  	_ =	shalt  }
0x42: {  	_ =	shalt  }
0x43: {  	_ =	shalt  }
0x44: {  	_ =	shalt  }
0x45: {  	_ =	shalt  }
0x46: {  	_ =	shalt  }
0x47: {  	_ =	shalt  }
0x48: {  	_ =	shalt  }
0x49: {  	_ =	shalt  }
0x4a: {  	_ =	shalt  }
0x4b: {  	_ =	shalt  }
0x4c: {  	_ =	shalt  }
0x4d: {  	_ =	shalt  }
0x4e: {  	_ =	shalt  }
0x4f: {  	_ =	shalt  }
0x50: {  	_ =	shalt  }
0x51: {  	_ =	shalt  }
0x52: {  	_ =	shalt  }
0x53: {  	_ =	shalt  }
0x54: {  	_ =	shalt  }
0x55: {  	_ =	shalt  }
0x56: {  	_ =	shalt  }
0x57: {  	_ =	shalt  }
0x58: {  	_ =	shalt  }
0x59: {  	_ =	shalt  }
0x5a: {  	_ =	shalt  }
0x5b: {  	_ =	shalt  }
0x5c: {  	_ =	shalt  }
0x5d: {  	_ =	shalt  }
0x5e: {  	_ =	shalt  }
0x5f: {  	_ =	shalt  }
0x60: {  	_ =	shalt  }
0x61: {  	_ =	shalt  }
0x62: {  	_ =	shalt  }
0x63: {  	_ =	shalt  }
0x64: {  	_ =	shalt  }
0x65: {  	_ =	shalt  }
0x66: {  	_ =	shalt  }
0x67: {  	_ =	shalt  }
0x68: {  	_ =	shalt  }
0x69: {  	_ =	shalt  }
0x6a: {  	_ =	shalt  }
0x6b: {  	_ =	shalt  }
0x6c: {  	_ =	shalt  }
0x6d: {  	_ =	shalt  }
0x6e: {  	_ =	shalt  }
0x6f: {  	_ =	shalt  }
0x70: {  	_ =	shalt  }
0x71: {  	_ =	shalt  }
0x72: {  	_ =	shalt  }
0x73: {  	_ =	shalt  }
0x74: {  	_ =	shalt  }
0x75: {  	_ =	shalt  }
0x76: {  	_ =	shalt  }
0x77: {  	_ =	shalt  }
0x78: {  	_ =	shalt  }
0x79: {  	_ =	shalt  }
0x7a: {  	_ =	shalt  }
0x7b: {  	_ =	shalt  }
0x7c: {  	_ =	shalt  }
0x7d: {  	_ =	shalt  }
0x7e: {  	_ =	shalt  }
0x7f: {  	_ =	shalt  }
0x80: {  	_ =	shalt  }
0x81: {  	_ =	shalt  }
0x82: {  	_ =	shalt  }
0x83: {  	_ =	shalt  }
0x84: {  	_ =	shalt  }
0x85: {  	_ =	shalt  }
0x86: {  	_ =	shalt  }
0x87: {  	_ =	shalt  }
.Lfunc_end0:
.L_simem_size_0:
called_computation_lowered:
.L_overlay_start_0:
0x88: {  	s2 =	sld [smem:$0x3FD9]  }
0x89: {  	s3 =	sld [smem:$0x3FFE];
	_ =	sdelay $0x1  }
0x8a: {  	s1 =	srdreg.scid  }
0x8b: {  	s0 =	sand.u32 $0x1, s1  }
0x8c: {  	s16 =	sshll.u32 s0, $0xA;
	s2 =	sadd.s32 s3, s2  }
0x8d: {  	s2 =	sadd.s32 s2, s16  }
0x8e: {  	[smem:$0x3FBC] =	sst s2  }
0x8f: {  	_ = 	snop  }
0x90: {  	(tm) =	ssettm $0x1  }
0x91: {  	s17 =	sld [smem:$0x3FFB];
	_ =	sdelay $0x3  }
0x92: {  	_ =	strace s17  }
0x93: {  	s2 =	sld [smem:$0x3FFC];
	_ =	sdelay $0x3  }
0x94: {  	_ =	strace s2  }
0x95: {  	s2 =	sld [smem:$0x3FFD];
	_ =	sdelay $0x3  }
0x96: {  	_ =	strace s2  }
0x97: {  	_ =	strace $0x8FFFFFFF  }
0x98: {  	s18 =	sld [smem:$0x3FDB];
	_ =	sdelay $0x1  }
0x99: {  	s19 =	simm.s32 $_scs_section_size  }
0x9a: {  	s4 =	simm.s32 $_size__tile_overlayer_lowered;
	s5 =	simm.s32 $_tile_overlayer_lowered  }
0x9b: {  	s22 =	simm.s32 $0x1BFF;
	s21 =	sshll.u32 s5, $0x1;
	s2 =	sadd.s32 s19, s18  }
0x9c: {  	s6 =	simm.s32 $0x0;
	s20 =	sshll.u32 s4, $0x1;
	s4 =	sadd.s32 s21, s2  }
0x9d: {  	[timem:s6], [sflag:s22] =	dma.local [hbm:s4], s20  }
0x9e: {  	_ =	swait.ge [sflag:s22], s20  }
0x9f: {  	s3 =	ssub.s32 $0x0, s20;
	[sflag:s22] =	ssyncset.done $0x0  }
0xa0: {  	[sflag:s22] =	ssyncadd.s32 s3;
	_ =	sdelay $0x1  }
0xa1: {  	s23 =	simm.s32 $0x1B8B  }
0xa2: {  	_ =	swait.ge [sflag:s23], $0x1  }
0xa3: {  	[sflag:s23] =	ssyncset.done $0x0  }
0xa4: {  	s25 =	simm.s32 $0x1B8E;
	s24 =	sld [smem:$0x3FFE];
	[sflag:s23] =	ssyncadd.s32 $0xFFFFFFFF  }
0xa5: {  	s26 =	simm.s32 $execute0_lowered;
	[smem:$0x3FD2] =	sst s25  }
0xa6: {  	s4 =	sshll.u32 s26, $0x1;
	_ =	strace $0x80000046;
	[dreg:$0x1] =	wrdreg $0xFFFFFFFF  }
0xa7: {  	s28 =	simm.s32 $_size_execute0_lowered;
	s2 =	sadd.s32 s2, s4;
	[dreg:$0x0] =	wrdreg $0x0  }
0xa8: {  	s4 =	sshll.u32 s28, $0x1;
	[dreg:$0x2] =	wrdreg s2  }
0xa9: {  	[dreg:$0x3] =	wrdreg s4  }
0xaa: {  	[dreg:$0x4] =	wrdreg $0xC0  }
0xab: {  	_ =	task [dreg:s6], $0x5FFFF  }
0xac: {  	[dreg:$0x1] =	wrdreg $0xFFFFFFFF  }
0xad: {  	[dreg:$0x0] =	wrdreg $0x60  }
0xae: {  	[dreg:$0x2] =	wrdreg s24  }
0xaf: {  	[dreg:$0x3] =	wrdreg $0x13BA00  }
0xb0: {  	[dreg:$0x4] =	wrdreg $0x9  }
0xb1: {  	_ =	task.clear_ibuf [dreg:s6], $0x5FFFF;
	_ =	strace $0x90000046  }
0xb2: {  	s29 =	simm.s32 $0x9;
	_ =	strace $0x80000048  }
0xb3: {  	_ =	swait.ge [sflag:s29], $0x1  }
0xb4: {  	[sflag:s29] =	ssyncadd.s32 $0xFFFFFFFF  }
0xb5: {  	_ =	strace $0x90000048  }
0xb6: {  	_ =	sfence  }
0xb7: {  	s30 =	sld [smem:$0x0];
	_ =	sdelay $0x2  }
0xb8: {  	s31 =	sshll.u32 s1, $0xD;
	s1 =	sshrl.u32 s1, $0x2  }
0xb9: {  	s3 =	sand.u32 $0x4000, s31;
	s1 =	sadd.s32 s1, s30  }
0xba: {  	s0 =	sor.u32 s3, s0;
	s1 =	sshll.u32 s1, $0x11  }
0xbb: {  	s0 =	sor.u32 s1, s0  }
0xbc: {  	s0 =	sadd.s32 $0x8F2B, s0  }
0xbd: {  	[sflag:s0] =	ssyncadd.remote.s32 $0x1  }
0xbe: {  	_ =	sfence.sel $0xFFFF  }
0xbf: {  	[dreg:$0x0] =	wrdreg $0xFFFFFFFF;
	(pc) =	sbr.abs _section_cstart, $3  }
0xc0: {  	[dreg:$0x1] =	wrdreg $0xFFFFFFFF  }
0xc1: {  	_ =	task.clear_ibuf [dreg:s6], $0x2FFFF;
	_ =	strace $0x9FFFFFFF  }
0xc2: {  	(tm) =	ssettm $0x7FFFFFFF  }
0xc3: {  	_ =	shalt  }
tec
execute0_lowered:
.L_overlay_start_1:
0x0: {  	(tag) =	ssettag $0x1  }
0x1: {  	s5 =	rddreg [dreg:$0x0]  }
0x2: {  	s0 =	srdreg.scid;
	s2 =	rddreg [dreg:$0x1]  }
0x3: {  	s1 =	rddreg [dreg:$0x2];
	s6 =	sand.u32 $0x1, s0  }
0x4: {  	s3 =	simm.s32 $0x0;
	s0 =	stileid.u32;
	s7 =	smul.u32 $0x28000, s6  }
0x5: {  	s11 =	simm.s32 $0x2800;
	s12 =	simm.s32 $0x7800;
	s8 =	smul.u32 $0x2800, s0  }
0x6: {  	s13 =	simm.s32 $0x80;
	s14 =	simm.s32 $0x5000;
	s9 =	smul.u32 $0xC3A0, s0  }
0x7: {  	s15 =	simm.s32 $0x1;
	[smem:$0x7FF] =	sst s3;
	s10 =	smul.u32 $0xC3A00, s6  }
0x8: {  	s16 =	simm.s32 $0x0;
	s4 =	sadd.s32 $0x2600, s5;
	_ =	strace $0x80000047  }
0x9: {  	s6 =	ssub.s32 $0x2, s6;
	s7 =	sadd.s32 s8, s7;
	s30 =	sadd.s32 s9, s10  }
0xa: {  	s31 =	sshrl.u32 s6, $0x1;
	s7 =	sshrl.u32 s7, $0x3;
	s8 =	sshrl.u32 s30, $0x3  }
0xb: {  	s10 =	ssub.s32 s6, s31;
	s7 =	sadd.s32 s7, s5;
	s8 =	sadd.s32 s8, s5  }
0xc: {  	s5 =	sadd.s32 $0x24E00, s7;
	s6 =	sadd.s32 $0x1AE00, s7;
	s7 =	sadd.s32 s9, s2  }
0xd: {  	v0 =	vimm.f32 $0.0e+00;
	s8 =	sadd.s32 $0x2EE00, s8;
	s9 =	smax.u32 s10, $0x1;
	s10 =	simm.s32 $0x2  }
.LBB2_1:
0xe: {  	[tilespmem:s3], [sflag:$0x2] =	stream.linear.gather [hbm4b:s5+s3], $0x2800, $0x38;
	[tilespmem:$0x1FF40] =	vst v63  }
0xf: {  	_ =	swait.ge [sflag:s10], $0x2800  }
0x10: {  	[sflag:s10] =	ssyncset.done $0x0  }
0x11: {  	[sflag:s10] =	ssyncadd.s32 $0xFFFFD800  }
0x12: {  	[tilespmem:s11], [sflag:$0x2] =	stream.linear.gather [hbm4b:s6+s3], $0x2800, $0x38;
	[tilespmem:$0x1FF40] =	vst v63  }
0x13: {  	_ =	swait.ge [sflag:s10], $0x2800  }
0x14: {  	[sflag:s10] =	ssyncset.done $0x0  }
0x15: {  	s18 =	simm.s32 $0x240;
	s17 =	simm.s32 $0x40;
	[sflag:s10] =	ssyncadd.s32 $0xFFFFD800  }
.LBB2_2:
0x16: {  	p0 =	sne.s32 s18, $0x30E40;
	[tilespmem:s17+$0x7800] =	vst v0;
	s19 =	smov.u32 s18;
	s18 =	sadd.s32 $0x140, s18  }
.Ltmp0:
0x17: {  	[tilespmem:s17+$0x77F0] =	vst v0;
	(pc) =	sbr.rel @p0 .LBB2_2-.Ltmp0, $4  }
0x18: {  	[tilespmem:s17+$0x77E0] =	vst v0  }
0x19: {  	[tilespmem:s17+$0x77C0] =	vst v0  }
0x1a: {  	[tilespmem:s17+$0x77D0] =	vst v0  }
0x1b: {  	s17 =	sshra.s32 s19, $0x2  }
0x1c: {  	[tilespmem:s17+$0x7800] =	vst v0  }
0x1d: {  	[tilespmem:s17+$0x77F0] =	vst v0  }
0x1e: {  	[tilespmem:s17+$0x77E0] =	vst v0  }
0x1f: {  	[tilespmem:s17+$0x77C0] =	vst v0  }
0x20: {  	[tilespmem:s17+$0x77D0] =	vst v0  }
0x21: {  	[spmem:s7] =	stream.linear.scatter [tilespmem:s12], [sflag:$0x2], $0xC3A0, $0x38;
	[tilespmem:$0x1FF40] =	vst v63  }
0x22: {  	_ =	swait.ge [sflag:s10], $0xC3A0  }
0x23: {  	[sflag:s10] =	ssyncset.done $0x0  }
0x24: {  	[sflag:s10] =	ssyncadd.s32 $0xFFFF3C60  }
0x25: {  	s30 =	simm.s32 $0x0;
	[bflag:$0x0] =	sbarrier.arrive $0xFFFF  }
0x26: {  	[tilespmem:s14], [sflag:$0x1] =	stream.indirect.gather [hbm4b:s4+s13], $0x50, s30, s13, $0xb8;
	[tilespmem:$0x1FF40] =	vst v63  }
0x27: {  	_ =	swait.ge [sflag:s15], $0x2800  }
0x28: {  	[sflag:s15] =	ssyncset.done $0x0  }
0x29: {  	s31 =	simm.s32 $0x2800;
	[sflag:s15] =	ssyncadd.s32 $0xFFFFD800  }
0x2a: {  	[spmem:s2] =	stream.indirect.scatter.add.f32 [tilespmem:s14], [sflag:$0x2], $0x50, s31, s13, $0xb8;
	[tilespmem:$0x1FF40] =	vst v63  }
0x2b: {  	_ =	swait.ge [sflag:s10], $0x2800  }
0x2c: {  	s17 =	simm.s32 $0x200;
	s18 =	simm.s32 $0x400;
	[sflag:s10] =	ssyncset.done $0x0  }
.LBB2_4:
0x2d: {  	s19 =	sshra.s32 s17, $0x2  }
0x2e: {  	[sflag:s10] =	ssyncadd.s32 $0xFFFFD800;
	s17 =	smov.u32 s18;
	s20 =	sadd.s32 $0x200, s18  }
0x2f: {  	[tilespmem:s14], [sflag:$0x1] =	stream.indirect.gather [hbm4b:s4+s13], $0x50, s19, s13, $0xb8;
	[tilespmem:$0x1FF40] =	vst v63  }
0x30: {  	p0 =	sne.s32 s18, $0x9E00;
	_ =	swait.ge [sflag:s15], $0x2800  }
.Ltmp1:
0x31: {  	[sflag:s15] =	ssyncset.done $0x0;
	(pc) =	sbr.rel @p0 .LBB2_4-.Ltmp1, $4  }
0x32: {  	s18 =	sadd.s32 $0x2800, s19;
	[sflag:s15] =	ssyncadd.s32 $0xFFFFD800  }
0x33: {  	[spmem:s2] =	stream.indirect.scatter.add.f32 [tilespmem:s14], [sflag:$0x2], $0x50, s18, s13, $0xb8;
	[tilespmem:$0x1FF40] =	vst v63  }
0x34: {  	_ =	swait.ge [sflag:s10], $0x2800  }
0x35: {  	s18 =	smov.u32 s20;
	[sflag:s10] =	ssyncset.done $0x0  }
0x36: {  	s17 =	sshra.s32 s17, $0x2;
	[sflag:s10] =	ssyncadd.s32 $0xFFFFD800  }
0x37: {  	[tilespmem:s14], [sflag:$0x1] =	stream.indirect.gather [hbm4b:s4+s13], $0x50, s17, s13, $0xb8;
	[tilespmem:$0x1FF40] =	vst v63  }
0x38: {  	_ =	swait.ge [sflag:s15], $0x2800  }
0x39: {  	[sflag:s15] =	ssyncset.done $0x0  }
0x3a: {  	s17 =	sadd.s32 $0x2800, s17;
	[sflag:s15] =	ssyncadd.s32 $0xFFFFD800  }
0x3b: {  	[spmem:s2] =	stream.indirect.scatter.add.f32 [tilespmem:s14], [sflag:$0x2], $0x50, s17, s13, $0xb8;
	[tilespmem:$0x1FF40] =	vst v63  }
0x3c: {  	_ =	swait.ge [sflag:s10], $0x2800  }
0x3d: {  	[sflag:s10] =	ssyncset.done $0x0  }
0x3e: {  	[sflag:s10] =	ssyncadd.s32 $0xFFFFD800  }
0x3f: {  	[bflag:$0x0] =	sbarrier.arrive $0xFFFF  }
0x40: {  	[tilespmem:s12], [sflag:$0x2] =	stream.linear.gather [spmem:s7], $0xC3A0, $0x38;
	[tilespmem:$0x1FF40] =	vst v63  }
0x41: {  	s16 =	sadd.s32 $0x1, s16;
	_ =	swait.ge [sflag:s10], $0xC3A0  }
0x42: {  	p0 =	sne.s32 s16, s9;
	[sflag:s10] =	ssyncset.done $0x0  }
.Ltmp2:
0x43: {  	[sflag:s10] =	ssyncadd.s32 $0xFFFF3C60;
	(pc) =	sbr.rel @p0 .LBB2_1-.Ltmp2, $4  }
0x44: {  	[hbm4b:s8+s3] =	stream.linear.scatter [tilespmem:s12], [sflag:$0x2], $0xC3A0, $0x38;
	[tilespmem:$0x1FF40] =	vst v63  }
0x45: {  	_ =	swait.ge [sflag:s10], $0xC3A0  }
0x46: {  	[sflag:s10] =	ssyncset.done $0x0  }
0x47: {  	[sflag:s10] =	ssyncadd.s32 $0xFFFF3C60  }
0x48: {  	_ =	sfence.sel $0x180000  }
0x49: {  	[bflag:$0x0] =	sbarrier.arrive $0xFFFF  }
0x4a: {  	p0 =	sne.s32 s0, $0x0;
	_ =	strace $0x90000047  }
0x4b: {  	s0 =	sadd.s32 @!p0 $0x100000, s1;
	[bflag:$0x2] =	sbarrier.arrive $0xFFFF  }
0x4c: {  	[sflag:s0] =	ssyncadd.tile.s32 @!p0 $0x1;
	_ =	shalt  }
.Lfunc_end2:
_tile_overlayer_lowered:
.L_overlay_start_2:
0x4d: {  	(tag) =	ssettag $0x2  }
0x4e: {  	s0 =	rddreg [dreg:$0x0];
	s2 =	stileid.u32  }
0x4f: {  	s1 =	rddreg [dreg:$0x1];
	p0 =	sne.s32 s2, $0x0  }
0x50: {  	s3 =	rddreg [dreg:$0x2];
	[bflag:$0x3] =	sbarrier.arrive $0xFFFF;
	s2 =	simm.s32 @!p0 $0x1C02  }
0x51: {  	[timem:s3], [sflag:s2] =	dma.local @!p0 [hbm:s0], s1  }
0x52: {  	s0 =	simm.s32 @!p0 $0x2  }
0x53: {  	_ =	swait.ge @!p0 [sflag:s0], s1  }
0x54: {  	s1 =	ssub.s32 @!p0 $0x0, s1;
	[sflag:s0] =	ssyncset.done @!p0 $0x0  }
0x55: {  	[sflag:s0] =	ssyncadd.s32 @!p0 s1  }
0x56: {  	[bflag:$0x3] =	sbarrier.arrive $0xFFFF  }
0x57: {  	_ =	shalt  }

</sc_bundles>
